<compile_context>
chip_gen: v7x
topology: tpu7x:2x2x1
jax: 0.10.2.dev20260603
libtpu: 0.0.44.dev20260713+nightly
codegen_flags: <defaults>
</compile_context>

<pallas_src>
import functools

import jax
import jax.numpy as jnp
from jax import lax
from jax.experimental import pallas as pl
from jax.experimental.pallas import tpu as pltpu
from jax.experimental.pallas import tpu_sc as plsc

B = 1024
T = 50
NUM_LISTS = 3
C = 1000

NC = 2
NS = 16
NW = NC * NS
BPW = B // NW
CHUNK = T * C
IDXW = NUM_LISTS * T
NGRP = (T + 15) // 16

_mesh = plsc.VectorSubcoreMesh(core_axis_name="c", subcore_axis_name="s")


@functools.partial(
    pl.kernel,
    mesh=_mesh,
    out_type=jax.ShapeDtypeStruct((B * T * C,), jnp.float32),
    compiler_params=pltpu.CompilerParams(needs_layout_passes=False),
    scratch_types=[
        pltpu.VMEM((BPW * IDXW + 16,), jnp.int32),
        pltpu.VMEM((NUM_LISTS * 16,), jnp.float32),
        pltpu.VMEM((CHUNK,), jnp.float32),
        pltpu.VMEM((CHUNK,), jnp.float32),
        pltpu.SemaphoreType.DMA,
        pltpu.SemaphoreType.DMA,
    ],
)
def _onehot_sc(pkg_hbm, probs_hbm, out_hbm,
               idx_v, probs_v, buf0, buf1, sem0, sem1):
    cid = lax.axis_index("c")
    sid = lax.axis_index("s")
    wid = sid * NC + cid
    b0 = wid * BPW

    pltpu.sync_copy(pkg_hbm.at[pl.ds(b0 * IDXW, BPW * IDXW)],
                    idx_v.at[pl.ds(0, BPW * IDXW)])
    pltpu.sync_copy(probs_hbm, probs_v)

    lanes = lax.iota(jnp.int32, 16)
    zero16 = jnp.zeros((16,), jnp.float32)

    def zero_body(i, carry):
        buf0[pl.ds(i * 16, 16)] = zero16
        buf1[pl.ds(i * 16, 16)] = zero16
        return carry

    lax.fori_loop(0, CHUNK // 16, zero_body, 0)
    tail_mask = lanes < (T - (NGRP - 1) * 16)

    def scatter_chunk(buf, bi, value_of_list):
        base = bi * IDXW
        for li in range(NUM_LISTS):
            val = value_of_list(li)
            for g in range(NGRP):
                labels = idx_v[pl.ds(base + li * T + g * 16, 16)]
                flat = (g * 16 + lanes) * C + labels
                if g == NGRP - 1:
                    plsc.store_scatter(buf, [flat], val, mask=tail_mask)
                else:
                    plsc.store_scatter(buf, [flat], val)

    def fill(buf, bi):
        scatter_chunk(buf, bi, lambda li: probs_v[pl.ds(li * 16, 16)])

    def restore(buf, bi):
        scatter_chunk(buf, bi, lambda li: zero16)

    bufs = (buf0, buf1)
    sems = (sem0, sem1)

    def out_copy(db, bi):
        return pltpu.make_async_copy(
            bufs[db], out_hbm.at[pl.ds((b0 + bi) * CHUNK, CHUNK)], sems[db])

    for db in range(2):
        fill(bufs[db], db)
        out_copy(db, db).start()

    def body(j, carry):
        for db in range(2):
            bi = 2 * j + db
            out_copy(db, bi - 2).wait()
            restore(bufs[db], bi - 2)
            fill(bufs[db], bi)
            out_copy(db, bi).start()
        return carry

    lax.fori_loop(1, BPW // 2, body, 0)

    for db in range(2):
        out_copy(db, BPW - 2 + db).wait()


def kernel(PKG_label, probabilities):
    pkg_flat = PKG_label.reshape(-1)
    probs16 = jnp.broadcast_to(probabilities[:, None], (NUM_LISTS, 16)).reshape(-1)
    out = _onehot_sc(pkg_flat, probs16)
    return out.reshape(B, T, C)

# --- scband reference (transcript-rebuilt; emitter-appended) ---
"""Pipeline reference for scband-pkglabel-onehot-67619965108954 (READ-ONLY COPY).

The authoritative reference and input builder live on the scoring server;
editing this copy changes nothing except your own understanding.
"""

import jax, jax.numpy as jnp
import numpy as np

B = 1024
T = 50
NUM_LISTS = 3
CLASS_DIM_GRAPH = 1000  # args.class_dim_graph


def setup_inputs(seed: int = 0) -> dict:
    key = jax.random.key(seed)
    k1, _ = jax.random.split(key)
    PKG_label = jax.random.randint(k1, (B, NUM_LISTS, T), 0, CLASS_DIM_GRAPH, dtype=jnp.int32)
    probabilities = jnp.array([0.5, 0.3, 0.2], dtype=jnp.float32)
    return {"PKG_label": PKG_label, "probabilities": probabilities}


def reference(PKG_label, probabilities):
    # Faithful vectorized translation of the per-(batch, t) python loops.
    # For each (b, t): list_prob = zeros(C); for list_idx in order:
    #   list_prob[PKG_label[b, list_idx, t]] = probabilities[list_idx]  (later lists overwrite)
    # onehot[b*T + t, :] = list_prob; then reshape to (B, T, C).
    b_idx = jnp.arange(B)[:, None]  # (B, 1)
    t_idx = jnp.arange(T)[None, :]  # (1, T)
    onehot = jnp.zeros((B, T, CLASS_DIM_GRAPH), dtype=jnp.float32)
    for li in range(NUM_LISTS):
        idx = PKG_label[:, li, :]  # (B, T)
        # scatter-overwrite: sequential sets preserve torch overwrite order across lists
        onehot = onehot.at[b_idx, t_idx, idx].set(probabilities[li])
    return onehot

if __name__ == "__main__":
    import jax
    _d = setup_inputs()
    print(jax.jit(kernel)(*tuple(_d.values())))

</pallas_src>

<mosaic_0001>
#map = affine_map<(d0, d1) -> (0)>
module attributes {stable_mosaic.version = 14 : i64} {
  func.func @_onehot_sc(%arg0: i32, %arg1: i32, %arg2: memref<153600xi32, #tpu.memory_space<hbm>>, %arg3: memref<48xf32, #tpu.memory_space<hbm>>, %arg4: memref<51200000xf32, #tpu.memory_space<hbm>>, %arg5: memref<4816xi32, #tpu.memory_space<vmem>>, %arg6: memref<48xf32, #tpu.memory_space<vmem>>, %arg7: memref<50000xf32, #tpu.memory_space<vmem>>, %arg8: memref<50000xf32, #tpu.memory_space<vmem>>, %arg9: memref<!tpu.dma_semaphore, #tpu.memory_space<semaphore_mem>>, %arg10: memref<!tpu.dma_semaphore, #tpu.memory_space<semaphore_mem>>) attributes {dimension_semantics = [#tpu.dimension_semantics<core_parallel>, #tpu.dimension_semantics<subcore_parallel>], iteration_bounds = array<i64: 2, 16>, scalar_prefetch = 0 : i64, scratch_operands = 6 : i64, tpu.core_type = #tpu.core_type<sc_vector_subcore>, window_params = [{transform_indices = #map}, {transform_indices = #map}, {transform_indices = #map}]} {
    %mul3A = arith.constant 2 : i32
    %mul3A_0 = arith.muli %arg1, %mul3A : i32
    %add3A = arith.addi %mul3A_0, %arg0 : i32
    %mul3A_1 = arith.constant 32 : i32
    %mul3A_2 = arith.muli %add3A, %mul3A_1 : i32
    %mul3A_3 = arith.constant 150 : i32
    %mul3A_4 = arith.muli %mul3A_2, %mul3A_3 : i32
    "tpu.region"() ({
      %run_scoped3A = tpu.sem_alloc : memref<!tpu.dma_semaphore, #tpu.memory_space<semaphore_mem>>
      %dma_start3A_268 = arith.constant 0 : i32
      %dma_start3A_269 = tpu.memref_slice %arg5[%dma_start3A_268] : memref<4816xi32, #tpu.memory_space<vmem>> -> memref<4800xi32, #tpu.memory_space<vmem>>
      %dma_start3A_270 = tpu.memref_slice %arg2[%mul3A_4] : memref<153600xi32, #tpu.memory_space<hbm>> -> memref<4800xi32, #tpu.memory_space<hbm>>
      %dma_start3A_271 = arith.constant 0 : i32
      %dma_start3A_272 = tpu.memref_slice %arg5[%dma_start3A_271] : memref<4816xi32, #tpu.memory_space<vmem>> -> memref<4800xi32, #tpu.memory_space<vmem>>
      %dma_start3A_273 = tpu.memref_slice %arg2[%mul3A_4] : memref<153600xi32, #tpu.memory_space<hbm>> -> memref<4800xi32, #tpu.memory_space<hbm>>
      tpu.enqueue_dma source(%dma_start3A_273 : memref<4800xi32, #tpu.memory_space<hbm>>) target(%dma_start3A_272 : memref<4800xi32, #tpu.memory_space<vmem>>) target_semaphore(%run_scoped3A : memref<!tpu.dma_semaphore, #tpu.memory_space<semaphore_mem>>)
      %dma_wait3A_274 = arith.constant 0 : i32
      %dma_wait3A_275 = tpu.memref_slice %arg5[%dma_wait3A_274] : memref<4816xi32, #tpu.memory_space<vmem>> -> memref<4800xi32, #tpu.memory_space<vmem>>
      %dma_wait3A_276 = tpu.memref_slice %arg2[%mul3A_4] : memref<153600xi32, #tpu.memory_space<hbm>> -> memref<4800xi32, #tpu.memory_space<hbm>>
      %dma_wait3A_277 = arith.constant 0 : i32
      %dma_wait3A_278 = tpu.memref_slice %arg5[%dma_wait3A_277] : memref<4816xi32, #tpu.memory_space<vmem>> -> memref<4800xi32, #tpu.memory_space<vmem>>
      %dma_wait3A_279 = tpu.memref_slice %arg2[%mul3A_4] : memref<153600xi32, #tpu.memory_space<hbm>> -> memref<4800xi32, #tpu.memory_space<hbm>>
      tpu.wait_dma2 semaphore(%run_scoped3A : memref<!tpu.dma_semaphore, #tpu.memory_space<semaphore_mem>>) src(%dma_wait3A_279 : memref<4800xi32, #tpu.memory_space<hbm>>) dst(%dma_wait3A_278 : memref<4800xi32, #tpu.memory_space<vmem>>)
      tpu.yield
    }) : () -> ()
    "tpu.region"() ({
      %run_scoped3A = tpu.sem_alloc : memref<!tpu.dma_semaphore, #tpu.memory_space<semaphore_mem>>
      tpu.enqueue_dma source(%arg3 : memref<48xf32, #tpu.memory_space<hbm>>) target(%arg6 : memref<48xf32, #tpu.memory_space<vmem>>) target_semaphore(%run_scoped3A : memref<!tpu.dma_semaphore, #tpu.memory_space<semaphore_mem>>)
      tpu.wait_dma2 semaphore(%run_scoped3A : memref<!tpu.dma_semaphore, #tpu.memory_space<semaphore_mem>>) src(%arg3 : memref<48xf32, #tpu.memory_space<hbm>>) dst(%arg6 : memref<48xf32, #tpu.memory_space<vmem>>)
      tpu.yield
    }) : () -> ()
    %iota3A = tpu.iota {dimensions = array<i32: 0>} : vector<16xi32>
    %broadcast_in_dim3A = arith.constant 0.000000e+00 : f32
    %broadcast_in_dim3A_5 = vector.broadcast %broadcast_in_dim3A : f32 to vector<16xf32>
    %scan3A = arith.constant 0 : i32
    %scan3A_6 = arith.constant 0 : i32
    %scan3A_7 = arith.constant 3125 : i32
    %scan3A_8 = arith.addi %scan3A_6, %scan3A_7 : i32
    %scan3A_9 = arith.constant 1 : i32
    scf.for %scan3A_268 = %scan3A_6 to %scan3A_8 step %scan3A_9  : i32 {
      %mul3A_269 = arith.constant 16 : i32
      %mul3A_270 = arith.muli %scan3A_268, %mul3A_269 : i32
      %swap3A = arith.index_cast %mul3A_270 : i32 to index
      %swap3A_271 = tpu.vector_load %arg7[%swap3A] {strides = array<i32>} : memref<50000xf32, #tpu.memory_space<vmem>>, vector<16xf32>,
      tpu.vector_store %arg7[%swap3A], %broadcast_in_dim3A_5 {strides = array<i32>} : memref<50000xf32, #tpu.memory_space<vmem>>, vector<16xf32>,
      %mul3A_272 = arith.constant 16 : i32
      %mul3A_273 = arith.muli %scan3A_268, %mul3A_272 : i32
      %swap3A_274 = arith.index_cast %mul3A_273 : i32 to index
      %swap3A_275 = tpu.vector_load %arg8[%swap3A_274] {strides = array<i32>} : memref<50000xf32, #tpu.memory_space<vmem>>, vector<16xf32>,
      tpu.vector_store %arg8[%swap3A_274], %broadcast_in_dim3A_5 {strides = array<i32>} : memref<50000xf32, #tpu.memory_space<vmem>>, vector<16xf32>,
    }
    %scan3A_10 = arith.constant 3125 : i32
    %lt3A = arith.constant 2 : i32
    %lt3A_11 = vector.broadcast %lt3A : i32 to vector<16xi32>
    %lt3A_12 = arith.cmpi slt, %iota3A, %lt3A_11 : vector<16xi32>
    %get3A = arith.constant 0 : index
    %get3A_13 = tpu.vector_load %arg6[%get3A] {strides = array<i32>} : memref<48xf32, #tpu.memory_space<vmem>>, vector<16xf32>,
    %get3A_14 = arith.constant 0 : index
    %get3A_15 = tpu.vector_load %arg5[%get3A_14] {strides = array<i32>} : memref<4816xi32, #tpu.memory_space<vmem>>, vector<16xi32>,
    %add3A_16 = arith.constant 0 : i32
    %add3A_17 = vector.broadcast %add3A_16 : i32 to vector<16xi32>
    %add3A_18 = arith.addi %add3A_17, %iota3A : vector<16xi32>
    %mul3A_19 = arith.constant 1000 : i32
    %mul3A_20 = vector.broadcast %mul3A_19 : i32 to vector<16xi32>
    %mul3A_21 = arith.muli %add3A_18, %mul3A_20 : vector<16xi32>
    %add3A_22 = arith.addi %mul3A_21, %get3A_15 : vector<16xi32>
    tpu.vector_store_idx %arg7[%add3A_22], %get3A_13 : memref<50000xf32, #tpu.memory_space<vmem>>[vector<16xi32>], vector<16xf32>,
    %get3A_23 = arith.constant 16 : index
    %get3A_24 = tpu.vector_load %arg5[%get3A_23] {strides = array<i32>} : memref<4816xi32, #tpu.memory_space<vmem>>, vector<16xi32>,
    %add3A_25 = arith.constant 16 : i32
    %add3A_26 = vector.broadcast %add3A_25 : i32 to vector<16xi32>
    %add3A_27 = arith.addi %add3A_26, %iota3A : vector<16xi32>
    %mul3A_28 = arith.constant 1000 : i32
    %mul3A_29 = vector.broadcast %mul3A_28 : i32 to vector<16xi32>
    %mul3A_30 = arith.muli %add3A_27, %mul3A_29 : vector<16xi32>
    %add3A_31 = arith.addi %mul3A_30, %get3A_24 : vector<16xi32>
    tpu.vector_store_idx %arg7[%add3A_31], %get3A_13 : memref<50000xf32, #tpu.memory_space<vmem>>[vector<16xi32>], vector<16xf32>,
    %get3A_32 = arith.constant 32 : index
    %get3A_33 = tpu.vector_load %arg5[%get3A_32] {strides = array<i32>} : memref<4816xi32, #tpu.memory_space<vmem>>, vector<16xi32>,
    %add3A_34 = arith.constant 32 : i32
    %add3A_35 = vector.broadcast %add3A_34 : i32 to vector<16xi32>
    %add3A_36 = arith.addi %add3A_35, %iota3A : vector<16xi32>
    %mul3A_37 = arith.constant 1000 : i32
    %mul3A_38 = vector.broadcast %mul3A_37 : i32 to vector<16xi32>
    %mul3A_39 = arith.muli %add3A_36, %mul3A_38 : vector<16xi32>
    %add3A_40 = arith.addi %mul3A_39, %get3A_33 : vector<16xi32>
    tpu.vector_store_idx %arg7[%add3A_40], %get3A_13 : memref<50000xf32, #tpu.memory_space<vmem>>[vector<16xi32>], vector<16xf32>,
    %get3A_41 = arith.constant 48 : index
    %get3A_42 = tpu.vector_load %arg5[%get3A_41] {strides = array<i32>} : memref<4816xi32, #tpu.memory_space<vmem>>, vector<16xi32>,
    %add3A_43 = arith.constant 48 : i32
    %add3A_44 = vector.broadcast %add3A_43 : i32 to vector<16xi32>
    %add3A_45 = arith.addi %add3A_44, %iota3A : vector<16xi32>
    %mul3A_46 = arith.constant 1000 : i32
    %mul3A_47 = vector.broadcast %mul3A_46 : i32 to vector<16xi32>
    %mul3A_48 = arith.muli %add3A_45, %mul3A_47 : vector<16xi32>
    %add3A_49 = arith.addi %mul3A_48, %get3A_42 : vector<16xi32>
    tpu.vector_store_idx %arg7[%add3A_49], %get3A_13 masked %lt3A_12 : memref<50000xf32, #tpu.memory_space<vmem>>[vector<16xi32>], vector<16xf32>, vector<16xi1>
    %get3A_50 = arith.constant 16 : index
    %get3A_51 = tpu.vector_load %arg6[%get3A_50] {strides = array<i32>} : memref<48xf32, #tpu.memory_space<vmem>>, vector<16xf32>,
    %get3A_52 = arith.constant 50 : index
    %get3A_53 = tpu.vector_load %arg5[%get3A_52] {strides = array<i32>} : memref<4816xi32, #tpu.memory_space<vmem>>, vector<16xi32>,
    %add3A_54 = arith.constant 0 : i32
    %add3A_55 = vector.broadcast %add3A_54 : i32 to vector<16xi32>
    %add3A_56 = arith.addi %add3A_55, %iota3A : vector<16xi32>
    %mul3A_57 = arith.constant 1000 : i32
    %mul3A_58 = vector.broadcast %mul3A_57 : i32 to vector<16xi32>
    %mul3A_59 = arith.muli %add3A_56, %mul3A_58 : vector<16xi32>
    %add3A_60 = arith.addi %mul3A_59, %get3A_53 : vector<16xi32>
    tpu.vector_store_idx %arg7[%add3A_60], %get3A_51 : memref<50000xf32, #tpu.memory_space<vmem>>[vector<16xi32>], vector<16xf32>,
    %get3A_61 = arith.constant 66 : index
    %get3A_62 = tpu.vector_load %arg5[%get3A_61] {strides = array<i32>} : memref<4816xi32, #tpu.memory_space<vmem>>, vector<16xi32>,
    %add3A_63 = arith.constant 16 : i32
    %add3A_64 = vector.broadcast %add3A_63 : i32 to vector<16xi32>
    %add3A_65 = arith.addi %add3A_64, %iota3A : vector<16xi32>
    %mul3A_66 = arith.constant 1000 : i32
    %mul3A_67 = vector.broadcast %mul3A_66 : i32 to vector<16xi32>
    %mul3A_68 = arith.muli %add3A_65, %mul3A_67 : vector<16xi32>
    %add3A_69 = arith.addi %mul3A_68, %get3A_62 : vector<16xi32>
    tpu.vector_store_idx %arg7[%add3A_69], %get3A_51 : memref<50000xf32, #tpu.memory_space<vmem>>[vector<16xi32>], vector<16xf32>,
    %get3A_70 = arith.constant 82 : index
    %get3A_71 = tpu.vector_load %arg5[%get3A_70] {strides = array<i32>} : memref<4816xi32, #tpu.memory_space<vmem>>, vector<16xi32>,
    %add3A_72 = arith.constant 32 : i32
    %add3A_73 = vector.broadcast %add3A_72 : i32 to vector<16xi32>
    %add3A_74 = arith.addi %add3A_73, %iota3A : vector<16xi32>
    %mul3A_75 = arith.constant 1000 : i32
    %mul3A_76 = vector.broadcast %mul3A_75 : i32 to vector<16xi32>
    %mul3A_77 = arith.muli %add3A_74, %mul3A_76 : vector<16xi32>
    %add3A_78 = arith.addi %mul3A_77, %get3A_71 : vector<16xi32>
    tpu.vector_store_idx %arg7[%add3A_78], %get3A_51 : memref<50000xf32, #tpu.memory_space<vmem>>[vector<16xi32>], vector<16xf32>,
    %get3A_79 = arith.constant 98 : index
    %get3A_80 = tpu.vector_load %arg5[%get3A_79] {strides = array<i32>} : memref<4816xi32, #tpu.memory_space<vmem>>, vector<16xi32>,
    %add3A_81 = arith.constant 48 : i32
    %add3A_82 = vector.broadcast %add3A_81 : i32 to vector<16xi32>
    %add3A_83 = arith.addi %add3A_82, %iota3A : vector<16xi32>
    %mul3A_84 = arith.constant 1000 : i32
    %mul3A_85 = vector.broadcast %mul3A_84 : i32 to vector<16xi32>
    %mul3A_86 = arith.muli %add3A_83, %mul3A_85 : vector<16xi32>
    %add3A_87 = arith.addi %mul3A_86, %get3A_80 : vector<16xi32>
    tpu.vector_store_idx %arg7[%add3A_87], %get3A_51 masked %lt3A_12 : memref<50000xf32, #tpu.memory_space<vmem>>[vector<16xi32>], vector<16xf32>, vector<16xi1>
    %get3A_88 = arith.constant 32 : index
    %get3A_89 = tpu.vector_load %arg6[%get3A_88] {strides = array<i32>} : memref<48xf32, #tpu.memory_space<vmem>>, vector<16xf32>,
    %get3A_90 = arith.constant 100 : index
    %get3A_91 = tpu.vector_load %arg5[%get3A_90] {strides = array<i32>} : memref<4816xi32, #tpu.memory_space<vmem>>, vector<16xi32>,
    %add3A_92 = arith.constant 0 : i32
    %add3A_93 = vector.broadcast %add3A_92 : i32 to vector<16xi32>
    %add3A_94 = arith.addi %add3A_93, %iota3A : vector<16xi32>
    %mul3A_95 = arith.constant 1000 : i32
    %mul3A_96 = vector.broadcast %mul3A_95 : i32 to vector<16xi32>
    %mul3A_97 = arith.muli %add3A_94, %mul3A_96 : vector<16xi32>
    %add3A_98 = arith.addi %mul3A_97, %get3A_91 : vector<16xi32>
    tpu.vector_store_idx %arg7[%add3A_98], %get3A_89 : memref<50000xf32, #tpu.memory_space<vmem>>[vector<16xi32>], vector<16xf32>,
    %get3A_99 = arith.constant 116 : index
    %get3A_100 = tpu.vector_load %arg5[%get3A_99] {strides = array<i32>} : memref<4816xi32, #tpu.memory_space<vmem>>, vector<16xi32>,
    %add3A_101 = arith.constant 16 : i32
    %add3A_102 = vector.broadcast %add3A_101 : i32 to vector<16xi32>
    %add3A_103 = arith.addi %add3A_102, %iota3A : vector<16xi32>
    %mul3A_104 = arith.constant 1000 : i32
    %mul3A_105 = vector.broadcast %mul3A_104 : i32 to vector<16xi32>
    %mul3A_106 = arith.muli %add3A_103, %mul3A_105 : vector<16xi32>
    %add3A_107 = arith.addi %mul3A_106, %get3A_100 : vector<16xi32>
    tpu.vector_store_idx %arg7[%add3A_107], %get3A_89 : memref<50000xf32, #tpu.memory_space<vmem>>[vector<16xi32>], vector<16xf32>,
    %get3A_108 = arith.constant 132 : index
    %get3A_109 = tpu.vector_load %arg5[%get3A_108] {strides = array<i32>} : memref<4816xi32, #tpu.memory_space<vmem>>, vector<16xi32>,
    %add3A_110 = arith.constant 32 : i32
    %add3A_111 = vector.broadcast %add3A_110 : i32 to vector<16xi32>
    %add3A_112 = arith.addi %add3A_111, %iota3A : vector<16xi32>
    %mul3A_113 = arith.constant 1000 : i32
    %mul3A_114 = vector.broadcast %mul3A_113 : i32 to vector<16xi32>
    %mul3A_115 = arith.muli %add3A_112, %mul3A_114 : vector<16xi32>
    %add3A_116 = arith.addi %mul3A_115, %get3A_109 : vector<16xi32>
    tpu.vector_store_idx %arg7[%add3A_116], %get3A_89 : memref<50000xf32, #tpu.memory_space<vmem>>[vector<16xi32>], vector<16xf32>,
    %get3A_117 = arith.constant 148 : index
    %get3A_118 = tpu.vector_load %arg5[%get3A_117] {strides = array<i32>} : memref<4816xi32, #tpu.memory_space<vmem>>, vector<16xi32>,
    %add3A_119 = arith.constant 48 : i32
    %add3A_120 = vector.broadcast %add3A_119 : i32 to vector<16xi32>
    %add3A_121 = arith.addi %add3A_120, %iota3A : vector<16xi32>
    %mul3A_122 = arith.constant 1000 : i32
    %mul3A_123 = vector.broadcast %mul3A_122 : i32 to vector<16xi32>
    %mul3A_124 = arith.muli %add3A_121, %mul3A_123 : vector<16xi32>
    %add3A_125 = arith.addi %mul3A_124, %get3A_118 : vector<16xi32>
    tpu.vector_store_idx %arg7[%add3A_125], %get3A_89 masked %lt3A_12 : memref<50000xf32, #tpu.memory_space<vmem>>[vector<16xi32>], vector<16xf32>, vector<16xi1>
    %add3A_126 = arith.constant 0 : i32
    %add3A_127 = arith.addi %mul3A_2, %add3A_126 : i32
    %mul3A_128 = arith.constant 50000 : i32
    %mul3A_129 = arith.muli %add3A_127, %mul3A_128 : i32
    %dma_start3A = tpu.memref_slice %arg4[%mul3A_129] : memref<51200000xf32, #tpu.memory_space<hbm>> -> memref<50000xf32, #tpu.memory_space<hbm>>
    %dma_start3A_130 = tpu.memref_slice %arg4[%mul3A_129] : memref<51200000xf32, #tpu.memory_space<hbm>> -> memref<50000xf32, #tpu.memory_space<hbm>>
    tpu.enqueue_dma source(%arg7 : memref<50000xf32, #tpu.memory_space<vmem>>) target(%dma_start3A_130 : memref<50000xf32, #tpu.memory_space<hbm>>) target_semaphore(%arg9 : memref<!tpu.dma_semaphore, #tpu.memory_space<semaphore_mem>>)
    %get3A_131 = arith.constant 0 : index
    %get3A_132 = tpu.vector_load %arg6[%get3A_131] {strides = array<i32>} : memref<48xf32, #tpu.memory_space<vmem>>, vector<16xf32>,
    %get3A_133 = arith.constant 150 : index
    %get3A_134 = tpu.vector_load %arg5[%get3A_133] {strides = array<i32>} : memref<4816xi32, #tpu.memory_space<vmem>>, vector<16xi32>,
    %add3A_135 = arith.constant 0 : i32
    %add3A_136 = vector.broadcast %add3A_135 : i32 to vector<16xi32>
    %add3A_137 = arith.addi %add3A_136, %iota3A : vector<16xi32>
    %mul3A_138 = arith.constant 1000 : i32
    %mul3A_139 = vector.broadcast %mul3A_138 : i32 to vector<16xi32>
    %mul3A_140 = arith.muli %add3A_137, %mul3A_139 : vector<16xi32>
    %add3A_141 = arith.addi %mul3A_140, %get3A_134 : vector<16xi32>
    tpu.vector_store_idx %arg8[%add3A_141], %get3A_132 : memref<50000xf32, #tpu.memory_space<vmem>>[vector<16xi32>], vector<16xf32>,
    %get3A_142 = arith.constant 166 : index
    %get3A_143 = tpu.vector_load %arg5[%get3A_142] {strides = array<i32>} : memref<4816xi32, #tpu.memory_space<vmem>>, vector<16xi32>,
    %add3A_144 = arith.constant 16 : i32
    %add3A_145 = vector.broadcast %add3A_144 : i32 to vector<16xi32>
    %add3A_146 = arith.addi %add3A_145, %iota3A : vector<16xi32>
    %mul3A_147 = arith.constant 1000 : i32
    %mul3A_148 = vector.broadcast %mul3A_147 : i32 to vector<16xi32>
    %mul3A_149 = arith.muli %add3A_146, %mul3A_148 : vector<16xi32>
    %add3A_150 = arith.addi %mul3A_149, %get3A_143 : vector<16xi32>
    tpu.vector_store_idx %arg8[%add3A_150], %get3A_132 : memref<50000xf32, #tpu.memory_space<vmem>>[vector<16xi32>], vector<16xf32>,
    %get3A_151 = arith.constant 182 : index
    %get3A_152 = tpu.vector_load %arg5[%get3A_151] {strides = array<i32>} : memref<4816xi32, #tpu.memory_space<vmem>>, vector<16xi32>,
    %add3A_153 = arith.constant 32 : i32
    %add3A_154 = vector.broadcast %add3A_153 : i32 to vector<16xi32>
    %add3A_155 = arith.addi %add3A_154, %iota3A : vector<16xi32>
    %mul3A_156 = arith.constant 1000 : i32
    %mul3A_157 = vector.broadcast %mul3A_156 : i32 to vector<16xi32>
    %mul3A_158 = arith.muli %add3A_155, %mul3A_157 : vector<16xi32>
    %add3A_159 = arith.addi %mul3A_158, %get3A_152 : vector<16xi32>
    tpu.vector_store_idx %arg8[%add3A_159], %get3A_132 : memref<50000xf32, #tpu.memory_space<vmem>>[vector<16xi32>], vector<16xf32>,
    %get3A_160 = arith.constant 198 : index
    %get3A_161 = tpu.vector_load %arg5[%get3A_160] {strides = array<i32>} : memref<4816xi32, #tpu.memory_space<vmem>>, vector<16xi32>,
    %add3A_162 = arith.constant 48 : i32
    %add3A_163 = vector.broadcast %add3A_162 : i32 to vector<16xi32>
    %add3A_164 = arith.addi %add3A_163, %iota3A : vector<16xi32>
    %mul3A_165 = arith.constant 1000 : i32
    %mul3A_166 = vector.broadcast %mul3A_165 : i32 to vector<16xi32>
    %mul3A_167 = arith.muli %add3A_164, %mul3A_166 : vector<16xi32>
    %add3A_168 = arith.addi %mul3A_167, %get3A_161 : vector<16xi32>
    tpu.vector_store_idx %arg8[%add3A_168], %get3A_132 masked %lt3A_12 : memref<50000xf32, #tpu.memory_space<vmem>>[vector<16xi32>], vector<16xf32>, vector<16xi1>
    %get3A_169 = arith.constant 16 : index
    %get3A_170 = tpu.vector_load %arg6[%get3A_169] {strides = array<i32>} : memref<48xf32, #tpu.memory_space<vmem>>, vector<16xf32>,
    %get3A_171 = arith.constant 200 : index
    %get3A_172 = tpu.vector_load %arg5[%get3A_171] {strides = array<i32>} : memref<4816xi32, #tpu.memory_space<vmem>>, vector<16xi32>,
    %add3A_173 = arith.constant 0 : i32
    %add3A_174 = vector.broadcast %add3A_173 : i32 to vector<16xi32>
    %add3A_175 = arith.addi %add3A_174, %iota3A : vector<16xi32>
    %mul3A_176 = arith.constant 1000 : i32
    %mul3A_177 = vector.broadcast %mul3A_176 : i32 to vector<16xi32>
    %mul3A_178 = arith.muli %add3A_175, %mul3A_177 : vector<16xi32>
    %add3A_179 = arith.addi %mul3A_178, %get3A_172 : vector<16xi32>
    tpu.vector_store_idx %arg8[%add3A_179], %get3A_170 : memref<50000xf32, #tpu.memory_space<vmem>>[vector<16xi32>], vector<16xf32>,
    %get3A_180 = arith.constant 216 : index
    %get3A_181 = tpu.vector_load %arg5[%get3A_180] {strides = array<i32>} : memref<4816xi32, #tpu.memory_space<vmem>>, vector<16xi32>,
    %add3A_182 = arith.constant 16 : i32
    %add3A_183 = vector.broadcast %add3A_182 : i32 to vector<16xi32>
    %add3A_184 = arith.addi %add3A_183, %iota3A : vector<16xi32>
    %mul3A_185 = arith.constant 1000 : i32
    %mul3A_186 = vector.broadcast %mul3A_185 : i32 to vector<16xi32>
    %mul3A_187 = arith.muli %add3A_184, %mul3A_186 : vector<16xi32>
    %add3A_188 = arith.addi %mul3A_187, %get3A_181 : vector<16xi32>
    tpu.vector_store_idx %arg8[%add3A_188], %get3A_170 : memref<50000xf32, #tpu.memory_space<vmem>>[vector<16xi32>], vector<16xf32>,
    %get3A_189 = arith.constant 232 : index
    %get3A_190 = tpu.vector_load %arg5[%get3A_189] {strides = array<i32>} : memref<4816xi32, #tpu.memory_space<vmem>>, vector<16xi32>,
    %add3A_191 = arith.constant 32 : i32
    %add3A_192 = vector.broadcast %add3A_191 : i32 to vector<16xi32>
    %add3A_193 = arith.addi %add3A_192, %iota3A : vector<16xi32>
    %mul3A_194 = arith.constant 1000 : i32
    %mul3A_195 = vector.broadcast %mul3A_194 : i32 to vector<16xi32>
    %mul3A_196 = arith.muli %add3A_193, %mul3A_195 : vector<16xi32>
    %add3A_197 = arith.addi %mul3A_196, %get3A_190 : vector<16xi32>
    tpu.vector_store_idx %arg8[%add3A_197], %get3A_170 : memref<50000xf32, #tpu.memory_space<vmem>>[vector<16xi32>], vector<16xf32>,
    %get3A_198 = arith.constant 248 : index
    %get3A_199 = tpu.vector_load %arg5[%get3A_198] {strides = array<i32>} : memref<4816xi32, #tpu.memory_space<vmem>>, vector<16xi32>,
    %add3A_200 = arith.constant 48 : i32
    %add3A_201 = vector.broadcast %add3A_200 : i32 to vector<16xi32>
    %add3A_202 = arith.addi %add3A_201, %iota3A : vector<16xi32>
    %mul3A_203 = arith.constant 1000 : i32
    %mul3A_204 = vector.broadcast %mul3A_203 : i32 to vector<16xi32>
    %mul3A_205 = arith.muli %add3A_202, %mul3A_204 : vector<16xi32>
    %add3A_206 = arith.addi %mul3A_205, %get3A_199 : vector<16xi32>
    tpu.vector_store_idx %arg8[%add3A_206], %get3A_170 masked %lt3A_12 : memref<50000xf32, #tpu.memory_space<vmem>>[vector<16xi32>], vector<16xf32>, vector<16xi1>
    %get3A_207 = arith.constant 32 : index
    %get3A_208 = tpu.vector_load %arg6[%get3A_207] {strides = array<i32>} : memref<48xf32, #tpu.memory_space<vmem>>, vector<16xf32>,
    %get3A_209 = arith.constant 250 : index
    %get3A_210 = tpu.vector_load %arg5[%get3A_209] {strides = array<i32>} : memref<4816xi32, #tpu.memory_space<vmem>>, vector<16xi32>,
    %add3A_211 = arith.constant 0 : i32
    %add3A_212 = vector.broadcast %add3A_211 : i32 to vector<16xi32>
    %add3A_213 = arith.addi %add3A_212, %iota3A : vector<16xi32>
    %mul3A_214 = arith.constant 1000 : i32
    %mul3A_215 = vector.broadcast %mul3A_214 : i32 to vector<16xi32>
    %mul3A_216 = arith.muli %add3A_213, %mul3A_215 : vector<16xi32>
    %add3A_217 = arith.addi %mul3A_216, %get3A_210 : vector<16xi32>
    tpu.vector_store_idx %arg8[%add3A_217], %get3A_208 : memref<50000xf32, #tpu.memory_space<vmem>>[vector<16xi32>], vector<16xf32>,
    %get3A_218 = arith.constant 266 : index
    %get3A_219 = tpu.vector_load %arg5[%get3A_218] {strides = array<i32>} : memref<4816xi32, #tpu.memory_space<vmem>>, vector<16xi32>,
    %add3A_220 = arith.constant 16 : i32
    %add3A_221 = vector.broadcast %add3A_220 : i32 to vector<16xi32>
    %add3A_222 = arith.addi %add3A_221, %iota3A : vector<16xi32>
    %mul3A_223 = arith.constant 1000 : i32
    %mul3A_224 = vector.broadcast %mul3A_223 : i32 to vector<16xi32>
    %mul3A_225 = arith.muli %add3A_222, %mul3A_224 : vector<16xi32>
    %add3A_226 = arith.addi %mul3A_225, %get3A_219 : vector<16xi32>
    tpu.vector_store_idx %arg8[%add3A_226], %get3A_208 : memref<50000xf32, #tpu.memory_space<vmem>>[vector<16xi32>], vector<16xf32>,
    %get3A_227 = arith.constant 282 : index
    %get3A_228 = tpu.vector_load %arg5[%get3A_227] {strides = array<i32>} : memref<4816xi32, #tpu.memory_space<vmem>>, vector<16xi32>,
    %add3A_229 = arith.constant 32 : i32
    %add3A_230 = vector.broadcast %add3A_229 : i32 to vector<16xi32>
    %add3A_231 = arith.addi %add3A_230, %iota3A : vector<16xi32>
    %mul3A_232 = arith.constant 1000 : i32
    %mul3A_233 = vector.broadcast %mul3A_232 : i32 to vector<16xi32>
    %mul3A_234 = arith.muli %add3A_231, %mul3A_233 : vector<16xi32>
    %add3A_235 = arith.addi %mul3A_234, %get3A_228 : vector<16xi32>
    tpu.vector_store_idx %arg8[%add3A_235], %get3A_208 : memref<50000xf32, #tpu.memory_space<vmem>>[vector<16xi32>], vector<16xf32>,
    %get3A_236 = arith.constant 298 : index
    %get3A_237 = tpu.vector_load %arg5[%get3A_236] {strides = array<i32>} : memref<4816xi32, #tpu.memory_space<vmem>>, vector<16xi32>,
    %add3A_238 = arith.constant 48 : i32
    %add3A_239 = vector.broadcast %add3A_238 : i32 to vector<16xi32>
    %add3A_240 = arith.addi %add3A_239, %iota3A : vector<16xi32>
    %mul3A_241 = arith.constant 1000 : i32
    %mul3A_242 = vector.broadcast %mul3A_241 : i32 to vector<16xi32>
    %mul3A_243 = arith.muli %add3A_240, %mul3A_242 : vector<16xi32>
    %add3A_244 = arith.addi %mul3A_243, %get3A_237 : vector<16xi32>
    tpu.vector_store_idx %arg8[%add3A_244], %get3A_208 masked %lt3A_12 : memref<50000xf32, #tpu.memory_space<vmem>>[vector<16xi32>], vector<16xf32>, vector<16xi1>
    %add3A_245 = arith.constant 1 : i32
    %add3A_246 = arith.addi %mul3A_2, %add3A_245 : i32
    %mul3A_247 = arith.constant 50000 : i32
    %mul3A_248 = arith.muli %add3A_246, %mul3A_247 : i32
    %dma_start3A_249 = tpu.memref_slice %arg4[%mul3A_248] : memref<51200000xf32, #tpu.memory_space<hbm>> -> memref<50000xf32, #tpu.memory_space<hbm>>
    %dma_start3A_250 = tpu.memref_slice %arg4[%mul3A_248] : memref<51200000xf32, #tpu.memory_space<hbm>> -> memref<50000xf32, #tpu.memory_space<hbm>>
    tpu.enqueue_dma source(%arg8 : memref<50000xf32, #tpu.memory_space<vmem>>) target(%dma_start3A_250 : memref<50000xf32, #tpu.memory_space<hbm>>) target_semaphore(%arg10 : memref<!tpu.dma_semaphore, #tpu.memory_space<semaphore_mem>>)
    %scan3A_251 = arith.constant 0 : i32
    %scan3A_252 = arith.constant 1 : i32
    %scan3A_253 = arith.constant 15 : i32
    %scan3A_254 = arith.addi %scan3A_252, %scan3A_253 : i32
    %scan3A_255 = arith.constant 1 : i32
    scf.for %scan3A_268 = %scan3A_252 to %scan3A_254 step %scan3A_255  : i32 {
      %mul3A_269 = arith.constant 2 : i32
      %mul3A_270 = arith.muli %mul3A_269, %scan3A_268 : i32
      %add3A_271 = arith.constant 0 : i32
      %add3A_272 = arith.addi %mul3A_270, %add3A_271 : i32
      %sub3A = arith.constant 2 : i32
      %sub3A_273 = arith.subi %add3A_272, %sub3A : i32
      %add3A_274 = arith.addi %mul3A_2, %sub3A_273 : i32
      %mul3A_275 = arith.constant 50000 : i32
      %mul3A_276 = arith.muli %add3A_274, %mul3A_275 : i32
      %dma_wait3A_277 = tpu.memref_slice %arg4[%mul3A_276] : memref<51200000xf32, #tpu.memory_space<hbm>> -> memref<50000xf32, #tpu.memory_space<hbm>>
      %dma_wait3A_278 = tpu.memref_slice %arg4[%mul3A_276] : memref<51200000xf32, #tpu.memory_space<hbm>> -> memref<50000xf32, #tpu.memory_space<hbm>>
      tpu.wait_dma2 semaphore(%arg9 : memref<!tpu.dma_semaphore, #tpu.memory_space<semaphore_mem>>) src(%arg7 : memref<50000xf32, #tpu.memory_space<vmem>>) dst(%dma_wait3A_278 : memref<50000xf32, #tpu.memory_space<hbm>>)
      %sub3A_279 = arith.constant 2 : i32
      %sub3A_280 = arith.subi %add3A_272, %sub3A_279 : i32
      %mul3A_281 = arith.constant 150 : i32
      %mul3A_282 = arith.muli %sub3A_280, %mul3A_281 : i32
      %add3A_283 = arith.constant 0 : i32
      %add3A_284 = arith.addi %mul3A_282, %add3A_283 : i32
      %add3A_285 = arith.constant 0 : i32
      %add3A_286 = arith.addi %add3A_284, %add3A_285 : i32
      %get3A_287 = arith.index_cast %add3A_286 : i32 to index
      %get3A_288 = tpu.vector_load %arg5[%get3A_287] {strides = array<i32>} : memref<4816xi32, #tpu.memory_space<vmem>>, vector<16xi32>,
      %add3A_289 = arith.constant 0 : i32
      %add3A_290 = vector.broadcast %add3A_289 : i32 to vector<16xi32>
      %add3A_291 = arith.addi %add3A_290, %iota3A : vector<16xi32>
      %mul3A_292 = arith.constant 1000 : i32
      %mul3A_293 = vector.broadcast %mul3A_292 : i32 to vector<16xi32>
      %mul3A_294 = arith.muli %add3A_291, %mul3A_293 : vector<16xi32>
      %add3A_295 = arith.addi %mul3A_294, %get3A_288 : vector<16xi32>
      tpu.vector_store_idx %arg7[%add3A_295], %broadcast_in_dim3A_5 : memref<50000xf32, #tpu.memory_space<vmem>>[vector<16xi32>], vector<16xf32>,
      %add3A_296 = arith.constant 0 : i32
      %add3A_297 = arith.addi %mul3A_282, %add3A_296 : i32
      %add3A_298 = arith.constant 16 : i32
      %add3A_299 = arith.addi %add3A_297, %add3A_298 : i32
      %get3A_300 = arith.index_cast %add3A_299 : i32 to index
      %get3A_301 = tpu.vector_load %arg5[%get3A_300] {strides = array<i32>} : memref<4816xi32, #tpu.memory_space<vmem>>, vector<16xi32>,
      %add3A_302 = arith.constant 16 : i32
      %add3A_303 = vector.broadcast %add3A_302 : i32 to vector<16xi32>
      %add3A_304 = arith.addi %add3A_303, %iota3A : vector<16xi32>
      %mul3A_305 = arith.constant 1000 : i32
      %mul3A_306 = vector.broadcast %mul3A_305 : i32 to vector<16xi32>
      %mul3A_307 = arith.muli %add3A_304, %mul3A_306 : vector<16xi32>
      %add3A_308 = arith.addi %mul3A_307, %get3A_301 : vector<16xi32>
      tpu.vector_store_idx %arg7[%add3A_308], %broadcast_in_dim3A_5 : memref<50000xf32, #tpu.memory_space<vmem>>[vector<16xi32>], vector<16xf32>,
      %add3A_309 = arith.constant 0 : i32
      %add3A_310 = arith.addi %mul3A_282, %add3A_309 : i32
      %add3A_311 = arith.constant 32 : i32
      %add3A_312 = arith.addi %add3A_310, %add3A_311 : i32
      %get3A_313 = arith.index_cast %add3A_312 : i32 to index
      %get3A_314 = tpu.vector_load %arg5[%get3A_313] {strides = array<i32>} : memref<4816xi32, #tpu.memory_space<vmem>>, vector<16xi32>,
      %add3A_315 = arith.constant 32 : i32
      %add3A_316 = vector.broadcast %add3A_315 : i32 to vector<16xi32>
      %add3A_317 = arith.addi %add3A_316, %iota3A : vector<16xi32>
      %mul3A_318 = arith.constant 1000 : i32
      %mul3A_319 = vector.broadcast %mul3A_318 : i32 to vector<16xi32>
      %mul3A_320 = arith.muli %add3A_317, %mul3A_319 : vector<16xi32>
      %add3A_321 = arith.addi %mul3A_320, %get3A_314 : vector<16xi32>
      tpu.vector_store_idx %arg7[%add3A_321], %broadcast_in_dim3A_5 : memref<50000xf32, #tpu.memory_space<vmem>>[vector<16xi32>], vector<16xf32>,
      %add3A_322 = arith.constant 0 : i32
      %add3A_323 = arith.addi %mul3A_282, %add3A_322 : i32
      %add3A_324 = arith.constant 48 : i32
      %add3A_325 = arith.addi %add3A_323, %add3A_324 : i32
      %get3A_326 = arith.index_cast %add3A_325 : i32 to index
      %get3A_327 = tpu.vector_load %arg5[%get3A_326] {strides = array<i32>} : memref<4816xi32, #tpu.memory_space<vmem>>, vector<16xi32>,
      %add3A_328 = arith.constant 48 : i32
      %add3A_329 = vector.broadcast %add3A_328 : i32 to vector<16xi32>
      %add3A_330 = arith.addi %add3A_329, %iota3A : vector<16xi32>
      %mul3A_331 = arith.constant 1000 : i32
      %mul3A_332 = vector.broadcast %mul3A_331 : i32 to vector<16xi32>
      %mul3A_333 = arith.muli %add3A_330, %mul3A_332 : vector<16xi32>
      %add3A_334 = arith.addi %mul3A_333, %get3A_327 : vector<16xi32>
      tpu.vector_store_idx %arg7[%add3A_334], %broadcast_in_dim3A_5 masked %lt3A_12 : memref<50000xf32, #tpu.memory_space<vmem>>[vector<16xi32>], vector<16xf32>, vector<16xi1>
      %add3A_335 = arith.constant 50 : i32
      %add3A_336 = arith.addi %mul3A_282, %add3A_335 : i32
      %add3A_337 = arith.constant 0 : i32
      %add3A_338 = arith.addi %add3A_336, %add3A_337 : i32
      %get3A_339 = arith.index_cast %add3A_338 : i32 to index
      %get3A_340 = tpu.vector_load %arg5[%get3A_339] {strides = array<i32>} : memref<4816xi32, #tpu.memory_space<vmem>>, vector<16xi32>,
      %add3A_341 = arith.constant 0 : i32
      %add3A_342 = vector.broadcast %add3A_341 : i32 to vector<16xi32>
      %add3A_343 = arith.addi %add3A_342, %iota3A : vector<16xi32>
      %mul3A_344 = arith.constant 1000 : i32
      %mul3A_345 = vector.broadcast %mul3A_344 : i32 to vector<16xi32>
      %mul3A_346 = arith.muli %add3A_343, %mul3A_345 : vector<16xi32>
      %add3A_347 = arith.addi %mul3A_346, %get3A_340 : vector<16xi32>
      tpu.vector_store_idx %arg7[%add3A_347], %broadcast_in_dim3A_5 : memref<50000xf32, #tpu.memory_space<vmem>>[vector<16xi32>], vector<16xf32>,
      %add3A_348 = arith.constant 50 : i32
      %add3A_349 = arith.addi %mul3A_282, %add3A_348 : i32
      %add3A_350 = arith.constant 16 : i32
      %add3A_351 = arith.addi %add3A_349, %add3A_350 : i32
      %get3A_352 = arith.index_cast %add3A_351 : i32 to index
      %get3A_353 = tpu.vector_load %arg5[%get3A_352] {strides = array<i32>} : memref<4816xi32, #tpu.memory_space<vmem>>, vector<16xi32>,
      %add3A_354 = arith.constant 16 : i32
      %add3A_355 = vector.broadcast %add3A_354 : i32 to vector<16xi32>
      %add3A_356 = arith.addi %add3A_355, %iota3A : vector<16xi32>
      %mul3A_357 = arith.constant 1000 : i32
      %mul3A_358 = vector.broadcast %mul3A_357 : i32 to vector<16xi32>
      %mul3A_359 = arith.muli %add3A_356, %mul3A_358 : vector<16xi32>
      %add3A_360 = arith.addi %mul3A_359, %get3A_353 : vector<16xi32>
      tpu.vector_store_idx %arg7[%add3A_360], %broadcast_in_dim3A_5 : memref<50000xf32, #tpu.memory_space<vmem>>[vector<16xi32>], vector<16xf32>,
      %add3A_361 = arith.constant 50 : i32
      %add3A_362 = arith.addi %mul3A_282, %add3A_361 : i32
      %add3A_363 = arith.constant 32 : i32
      %add3A_364 = arith.addi %add3A_362, %add3A_363 : i32
      %get3A_365 = arith.index_cast %add3A_364 : i32 to index
      %get3A_366 = tpu.vector_load %arg5[%get3A_365] {strides = array<i32>} : memref<4816xi32, #tpu.memory_space<vmem>>, vector<16xi32>,
      %add3A_367 = arith.constant 32 : i32
      %add3A_368 = vector.broadcast %add3A_367 : i32 to vector<16xi32>
      %add3A_369 = arith.addi %add3A_368, %iota3A : vector<16xi32>
      %mul3A_370 = arith.constant 1000 : i32
      %mul3A_371 = vector.broadcast %mul3A_370 : i32 to vector<16xi32>
      %mul3A_372 = arith.muli %add3A_369, %mul3A_371 : vector<16xi32>
      %add3A_373 = arith.addi %mul3A_372, %get3A_366 : vector<16xi32>
      tpu.vector_store_idx %arg7[%add3A_373], %broadcast_in_dim3A_5 : memref<50000xf32, #tpu.memory_space<vmem>>[vector<16xi32>], vector<16xf32>,
      %add3A_374 = arith.constant 50 : i32
      %add3A_375 = arith.addi %mul3A_282, %add3A_374 : i32
      %add3A_376 = arith.constant 48 : i32
      %add3A_377 = arith.addi %add3A_375, %add3A_376 : i32
      %get3A_378 = arith.index_cast %add3A_377 : i32 to index
      %get3A_379 = tpu.vector_load %arg5[%get3A_378] {strides = array<i32>} : memref<4816xi32, #tpu.memory_space<vmem>>, vector<16xi32>,
      %add3A_380 = arith.constant 48 : i32
      %add3A_381 = vector.broadcast %add3A_380 : i32 to vector<16xi32>
      %add3A_382 = arith.addi %add3A_381, %iota3A : vector<16xi32>
      %mul3A_383 = arith.constant 1000 : i32
      %mul3A_384 = vector.broadcast %mul3A_383 : i32 to vector<16xi32>
      %mul3A_385 = arith.muli %add3A_382, %mul3A_384 : vector<16xi32>
      %add3A_386 = arith.addi %mul3A_385, %get3A_379 : vector<16xi32>
      tpu.vector_store_idx %arg7[%add3A_386], %broadcast_in_dim3A_5 masked %lt3A_12 : memref<50000xf32, #tpu.memory_space<vmem>>[vector<16xi32>], vector<16xf32>, vector<16xi1>
      %add3A_387 = arith.constant 100 : i32
      %add3A_388 = arith.addi %mul3A_282, %add3A_387 : i32
      %add3A_389 = arith.constant 0 : i32
      %add3A_390 = arith.addi %add3A_388, %add3A_389 : i32
      %get3A_391 = arith.index_cast %add3A_390 : i32 to index
      %get3A_392 = tpu.vector_load %arg5[%get3A_391] {strides = array<i32>} : memref<4816xi32, #tpu.memory_space<vmem>>, vector<16xi32>,
      %add3A_393 = arith.constant 0 : i32
      %add3A_394 = vector.broadcast %add3A_393 : i32 to vector<16xi32>
      %add3A_395 = arith.addi %add3A_394, %iota3A : vector<16xi32>
      %mul3A_396 = arith.constant 1000 : i32
      %mul3A_397 = vector.broadcast %mul3A_396 : i32 to vector<16xi32>
      %mul3A_398 = arith.muli %add3A_395, %mul3A_397 : vector<16xi32>
      %add3A_399 = arith.addi %mul3A_398, %get3A_392 : vector<16xi32>
      tpu.vector_store_idx %arg7[%add3A_399], %broadcast_in_dim3A_5 : memref<50000xf32, #tpu.memory_space<vmem>>[vector<16xi32>], vector<16xf32>,
      %add3A_400 = arith.constant 100 : i32
      %add3A_401 = arith.addi %mul3A_282, %add3A_400 : i32
      %add3A_402 = arith.constant 16 : i32
      %add3A_403 = arith.addi %add3A_401, %add3A_402 : i32
      %get3A_404 = arith.index_cast %add3A_403 : i32 to index
      %get3A_405 = tpu.vector_load %arg5[%get3A_404] {strides = array<i32>} : memref<4816xi32, #tpu.memory_space<vmem>>, vector<16xi32>,
      %add3A_406 = arith.constant 16 : i32
      %add3A_407 = vector.broadcast %add3A_406 : i32 to vector<16xi32>
      %add3A_408 = arith.addi %add3A_407, %iota3A : vector<16xi32>
      %mul3A_409 = arith.constant 1000 : i32
      %mul3A_410 = vector.broadcast %mul3A_409 : i32 to vector<16xi32>
      %mul3A_411 = arith.muli %add3A_408, %mul3A_410 : vector<16xi32>
      %add3A_412 = arith.addi %mul3A_411, %get3A_405 : vector<16xi32>
      tpu.vector_store_idx %arg7[%add3A_412], %broadcast_in_dim3A_5 : memref<50000xf32, #tpu.memory_space<vmem>>[vector<16xi32>], vector<16xf32>,
      %add3A_413 = arith.constant 100 : i32
      %add3A_414 = arith.addi %mul3A_282, %add3A_413 : i32
      %add3A_415 = arith.constant 32 : i32
      %add3A_416 = arith.addi %add3A_414, %add3A_415 : i32
      %get3A_417 = arith.index_cast %add3A_416 : i32 to index
      %get3A_418 = tpu.vector_load %arg5[%get3A_417] {strides = array<i32>} : memref<4816xi32, #tpu.memory_space<vmem>>, vector<16xi32>,
      %add3A_419 = arith.constant 32 : i32
      %add3A_420 = vector.broadcast %add3A_419 : i32 to vector<16xi32>
      %add3A_421 = arith.addi %add3A_420, %iota3A : vector<16xi32>
      %mul3A_422 = arith.constant 1000 : i32
      %mul3A_423 = vector.broadcast %mul3A_422 : i32 to vector<16xi32>
      %mul3A_424 = arith.muli %add3A_421, %mul3A_423 : vector<16xi32>
      %add3A_425 = arith.addi %mul3A_424, %get3A_418 : vector<16xi32>
      tpu.vector_store_idx %arg7[%add3A_425], %broadcast_in_dim3A_5 : memref<50000xf32, #tpu.memory_space<vmem>>[vector<16xi32>], vector<16xf32>,
      %add3A_426 = arith.constant 100 : i32
      %add3A_427 = arith.addi %mul3A_282, %add3A_426 : i32
      %add3A_428 = arith.constant 48 : i32
      %add3A_429 = arith.addi %add3A_427, %add3A_428 : i32
      %get3A_430 = arith.index_cast %add3A_429 : i32 to index
      %get3A_431 = tpu.vector_load %arg5[%get3A_430] {strides = array<i32>} : memref<4816xi32, #tpu.memory_space<vmem>>, vector<16xi32>,
      %add3A_432 = arith.constant 48 : i32
      %add3A_433 = vector.broadcast %add3A_432 : i32 to vector<16xi32>
      %add3A_434 = arith.addi %add3A_433, %iota3A : vector<16xi32>
      %mul3A_435 = arith.constant 1000 : i32
      %mul3A_436 = vector.broadcast %mul3A_435 : i32 to vector<16xi32>
      %mul3A_437 = arith.muli %add3A_434, %mul3A_436 : vector<16xi32>
      %add3A_438 = arith.addi %mul3A_437, %get3A_431 : vector<16xi32>
      tpu.vector_store_idx %arg7[%add3A_438], %broadcast_in_dim3A_5 masked %lt3A_12 : memref<50000xf32, #tpu.memory_space<vmem>>[vector<16xi32>], vector<16xf32>, vector<16xi1>
      %mul3A_439 = arith.constant 150 : i32
      %mul3A_440 = arith.muli %add3A_272, %mul3A_439 : i32
      %get3A_441 = arith.constant 0 : index
      %get3A_442 = tpu.vector_load %arg6[%get3A_441] {strides = array<i32>} : memref<48xf32, #tpu.memory_space<vmem>>, vector<16xf32>,
      %add3A_443 = arith.constant 0 : i32
      %add3A_444 = arith.addi %mul3A_440, %add3A_443 : i32
      %add3A_445 = arith.constant 0 : i32
      %add3A_446 = arith.addi %add3A_444, %add3A_445 : i32
      %get3A_447 = arith.index_cast %add3A_446 : i32 to index
      %get3A_448 = tpu.vector_load %arg5[%get3A_447] {strides = array<i32>} : memref<4816xi32, #tpu.memory_space<vmem>>, vector<16xi32>,
      %add3A_449 = arith.constant 0 : i32
      %add3A_450 = vector.broadcast %add3A_449 : i32 to vector<16xi32>
      %add3A_451 = arith.addi %add3A_450, %iota3A : vector<16xi32>
      %mul3A_452 = arith.constant 1000 : i32
      %mul3A_453 = vector.broadcast %mul3A_452 : i32 to vector<16xi32>
      %mul3A_454 = arith.muli %add3A_451, %mul3A_453 : vector<16xi32>
      %add3A_455 = arith.addi %mul3A_454, %get3A_448 : vector<16xi32>
      tpu.vector_store_idx %arg7[%add3A_455], %get3A_442 : memref<50000xf32, #tpu.memory_space<vmem>>[vector<16xi32>], vector<16xf32>,
      %add3A_456 = arith.constant 0 : i32
      %add3A_457 = arith.addi %mul3A_440, %add3A_456 : i32
      %add3A_458 = arith.constant 16 : i32
      %add3A_459 = arith.addi %add3A_457, %add3A_458 : i32
      %get3A_460 = arith.index_cast %add3A_459 : i32 to index
      %get3A_461 = tpu.vector_load %arg5[%get3A_460] {strides = array<i32>} : memref<4816xi32, #tpu.memory_space<vmem>>, vector<16xi32>,
      %add3A_462 = arith.constant 16 : i32
      %add3A_463 = vector.broadcast %add3A_462 : i32 to vector<16xi32>
      %add3A_464 = arith.addi %add3A_463, %iota3A : vector<16xi32>
      %mul3A_465 = arith.constant 1000 : i32
      %mul3A_466 = vector.broadcast %mul3A_465 : i32 to vector<16xi32>
      %mul3A_467 = arith.muli %add3A_464, %mul3A_466 : vector<16xi32>
      %add3A_468 = arith.addi %mul3A_467, %get3A_461 : vector<16xi32>
      tpu.vector_store_idx %arg7[%add3A_468], %get3A_442 : memref<50000xf32, #tpu.memory_space<vmem>>[vector<16xi32>], vector<16xf32>,
      %add3A_469 = arith.constant 0 : i32
      %add3A_470 = arith.addi %mul3A_440, %add3A_469 : i32
      %add3A_471 = arith.constant 32 : i32
      %add3A_472 = arith.addi %add3A_470, %add3A_471 : i32
      %get3A_473 = arith.index_cast %add3A_472 : i32 to index
      %get3A_474 = tpu.vector_load %arg5[%get3A_473] {strides = array<i32>} : memref<4816xi32, #tpu.memory_space<vmem>>, vector<16xi32>,
      %add3A_475 = arith.constant 32 : i32
      %add3A_476 = vector.broadcast %add3A_475 : i32 to vector<16xi32>
      %add3A_477 = arith.addi %add3A_476, %iota3A : vector<16xi32>
      %mul3A_478 = arith.constant 1000 : i32
      %mul3A_479 = vector.broadcast %mul3A_478 : i32 to vector<16xi32>
      %mul3A_480 = arith.muli %add3A_477, %mul3A_479 : vector<16xi32>
      %add3A_481 = arith.addi %mul3A_480, %get3A_474 : vector<16xi32>
      tpu.vector_store_idx %arg7[%add3A_481], %get3A_442 : memref<50000xf32, #tpu.memory_space<vmem>>[vector<16xi32>], vector<16xf32>,
      %add3A_482 = arith.constant 0 : i32
      %add3A_483 = arith.addi %mul3A_440, %add3A_482 : i32
      %add3A_484 = arith.constant 48 : i32
      %add3A_485 = arith.addi %add3A_483, %add3A_484 : i32
      %get3A_486 = arith.index_cast %add3A_485 : i32 to index
      %get3A_487 = tpu.vector_load %arg5[%get3A_486] {strides = array<i32>} : memref<4816xi32, #tpu.memory_space<vmem>>, vector<16xi32>,
      %add3A_488 = arith.constant 48 : i32
      %add3A_489 = vector.broadcast %add3A_488 : i32 to vector<16xi32>
      %add3A_490 = arith.addi %add3A_489, %iota3A : vector<16xi32>
      %mul3A_491 = arith.constant 1000 : i32
      %mul3A_492 = vector.broadcast %mul3A_491 : i32 to vector<16xi32>
      %mul3A_493 = arith.muli %add3A_490, %mul3A_492 : vector<16xi32>
      %add3A_494 = arith.addi %mul3A_493, %get3A_487 : vector<16xi32>
      tpu.vector_store_idx %arg7[%add3A_494], %get3A_442 masked %lt3A_12 : memref<50000xf32, #tpu.memory_space<vmem>>[vector<16xi32>], vector<16xf32>, vector<16xi1>
      %get3A_495 = arith.constant 16 : index
      %get3A_496 = tpu.vector_load %arg6[%get3A_495] {strides = array<i32>} : memref<48xf32, #tpu.memory_space<vmem>>, vector<16xf32>,
      %add3A_497 = arith.constant 50 : i32
      %add3A_498 = arith.addi %mul3A_440, %add3A_497 : i32
      %add3A_499 = arith.constant 0 : i32
      %add3A_500 = arith.addi %add3A_498, %add3A_499 : i32
      %get3A_501 = arith.index_cast %add3A_500 : i32 to index
      %get3A_502 = tpu.vector_load %arg5[%get3A_501] {strides = array<i32>} : memref<4816xi32, #tpu.memory_space<vmem>>, vector<16xi32>,
      %add3A_503 = arith.constant 0 : i32
      %add3A_504 = vector.broadcast %add3A_503 : i32 to vector<16xi32>
      %add3A_505 = arith.addi %add3A_504, %iota3A : vector<16xi32>
      %mul3A_506 = arith.constant 1000 : i32
      %mul3A_507 = vector.broadcast %mul3A_506 : i32 to vector<16xi32>
      %mul3A_508 = arith.muli %add3A_505, %mul3A_507 : vector<16xi32>
      %add3A_509 = arith.addi %mul3A_508, %get3A_502 : vector<16xi32>
      tpu.vector_store_idx %arg7[%add3A_509], %get3A_496 : memref<50000xf32, #tpu.memory_space<vmem>>[vector<16xi32>], vector<16xf32>,
      %add3A_510 = arith.constant 50 : i32
      %add3A_511 = arith.addi %mul3A_440, %add3A_510 : i32
      %add3A_512 = arith.constant 16 : i32
      %add3A_513 = arith.addi %add3A_511, %add3A_512 : i32
      %get3A_514 = arith.index_cast %add3A_513 : i32 to index
      %get3A_515 = tpu.vector_load %arg5[%get3A_514] {strides = array<i32>} : memref<4816xi32, #tpu.memory_space<vmem>>, vector<16xi32>,
      %add3A_516 = arith.constant 16 : i32
      %add3A_517 = vector.broadcast %add3A_516 : i32 to vector<16xi32>
      %add3A_518 = arith.addi %add3A_517, %iota3A : vector<16xi32>
      %mul3A_519 = arith.constant 1000 : i32
      %mul3A_520 = vector.broadcast %mul3A_519 : i32 to vector<16xi32>
      %mul3A_521 = arith.muli %add3A_518, %mul3A_520 : vector<16xi32>
      %add3A_522 = arith.addi %mul3A_521, %get3A_515 : vector<16xi32>
      tpu.vector_store_idx %arg7[%add3A_522], %get3A_496 : memref<50000xf32, #tpu.memory_space<vmem>>[vector<16xi32>], vector<16xf32>,
      %add3A_523 = arith.constant 50 : i32
      %add3A_524 = arith.addi %mul3A_440, %add3A_523 : i32
      %add3A_525 = arith.constant 32 : i32
      %add3A_526 = arith.addi %add3A_524, %add3A_525 : i32
      %get3A_527 = arith.index_cast %add3A_526 : i32 to index
      %get3A_528 = tpu.vector_load %arg5[%get3A_527] {strides = array<i32>} : memref<4816xi32, #tpu.memory_space<vmem>>, vector<16xi32>,
      %add3A_529 = arith.constant 32 : i32
      %add3A_530 = vector.broadcast %add3A_529 : i32 to vector<16xi32>
      %add3A_531 = arith.addi %add3A_530, %iota3A : vector<16xi32>
      %mul3A_532 = arith.constant 1000 : i32
      %mul3A_533 = vector.broadcast %mul3A_532 : i32 to vector<16xi32>
      %mul3A_534 = arith.muli %add3A_531, %mul3A_533 : vector<16xi32>
      %add3A_535 = arith.addi %mul3A_534, %get3A_528 : vector<16xi32>
      tpu.vector_store_idx %arg7[%add3A_535], %get3A_496 : memref<50000xf32, #tpu.memory_space<vmem>>[vector<16xi32>], vector<16xf32>,
      %add3A_536 = arith.constant 50 : i32
      %add3A_537 = arith.addi %mul3A_440, %add3A_536 : i32
      %add3A_538 = arith.constant 48 : i32
      %add3A_539 = arith.addi %add3A_537, %add3A_538 : i32
      %get3A_540 = arith.index_cast %add3A_539 : i32 to index
      %get3A_541 = tpu.vector_load %arg5[%get3A_540] {strides = array<i32>} : memref<4816xi32, #tpu.memory_space<vmem>>, vector<16xi32>,
      %add3A_542 = arith.constant 48 : i32
      %add3A_543 = vector.broadcast %add3A_542 : i32 to vector<16xi32>
      %add3A_544 = arith.addi %add3A_543, %iota3A : vector<16xi32>
      %mul3A_545 = arith.constant 1000 : i32
      %mul3A_546 = vector.broadcast %mul3A_545 : i32 to vector<16xi32>
      %mul3A_547 = arith.muli %add3A_544, %mul3A_546 : vector<16xi32>
      %add3A_548 = arith.addi %mul3A_547, %get3A_541 : vector<16xi32>
      tpu.vector_store_idx %arg7[%add3A_548], %get3A_496 masked %lt3A_12 : memref<50000xf32, #tpu.memory_space<vmem>>[vector<16xi32>], vector<16xf32>, vector<16xi1>
      %get3A_549 = arith.constant 32 : index
      %get3A_550 = tpu.vector_load %arg6[%get3A_549] {strides = array<i32>} : memref<48xf32, #tpu.memory_space<vmem>>, vector<16xf32>,
      %add3A_551 = arith.constant 100 : i32
      %add3A_552 = arith.addi %mul3A_440, %add3A_551 : i32
      %add3A_553 = arith.constant 0 : i32
      %add3A_554 = arith.addi %add3A_552, %add3A_553 : i32
      %get3A_555 = arith.index_cast %add3A_554 : i32 to index
      %get3A_556 = tpu.vector_load %arg5[%get3A_555] {strides = array<i32>} : memref<4816xi32, #tpu.memory_space<vmem>>, vector<16xi32>,
      %add3A_557 = arith.constant 0 : i32
      %add3A_558 = vector.broadcast %add3A_557 : i32 to vector<16xi32>
      %add3A_559 = arith.addi %add3A_558, %iota3A : vector<16xi32>
      %mul3A_560 = arith.constant 1000 : i32
      %mul3A_561 = vector.broadcast %mul3A_560 : i32 to vector<16xi32>
      %mul3A_562 = arith.muli %add3A_559, %mul3A_561 : vector<16xi32>
      %add3A_563 = arith.addi %mul3A_562, %get3A_556 : vector<16xi32>
      tpu.vector_store_idx %arg7[%add3A_563], %get3A_550 : memref<50000xf32, #tpu.memory_space<vmem>>[vector<16xi32>], vector<16xf32>,
      %add3A_564 = arith.constant 100 : i32
      %add3A_565 = arith.addi %mul3A_440, %add3A_564 : i32
      %add3A_566 = arith.constant 16 : i32
      %add3A_567 = arith.addi %add3A_565, %add3A_566 : i32
      %get3A_568 = arith.index_cast %add3A_567 : i32 to index
      %get3A_569 = tpu.vector_load %arg5[%get3A_568] {strides = array<i32>} : memref<4816xi32, #tpu.memory_space<vmem>>, vector<16xi32>,
      %add3A_570 = arith.constant 16 : i32
      %add3A_571 = vector.broadcast %add3A_570 : i32 to vector<16xi32>
      %add3A_572 = arith.addi %add3A_571, %iota3A : vector<16xi32>
      %mul3A_573 = arith.constant 1000 : i32
      %mul3A_574 = vector.broadcast %mul3A_573 : i32 to vector<16xi32>
      %mul3A_575 = arith.muli %add3A_572, %mul3A_574 : vector<16xi32>
      %add3A_576 = arith.addi %mul3A_575, %get3A_569 : vector<16xi32>
      tpu.vector_store_idx %arg7[%add3A_576], %get3A_550 : memref<50000xf32, #tpu.memory_space<vmem>>[vector<16xi32>], vector<16xf32>,
      %add3A_577 = arith.constant 100 : i32
      %add3A_578 = arith.addi %mul3A_440, %add3A_577 : i32
      %add3A_579 = arith.constant 32 : i32
      %add3A_580 = arith.addi %add3A_578, %add3A_579 : i32
      %get3A_581 = arith.index_cast %add3A_580 : i32 to index
      %get3A_582 = tpu.vector_load %arg5[%get3A_581] {strides = array<i32>} : memref<4816xi32, #tpu.memory_space<vmem>>, vector<16xi32>,
      %add3A_583 = arith.constant 32 : i32
      %add3A_584 = vector.broadcast %add3A_583 : i32 to vector<16xi32>
      %add3A_585 = arith.addi %add3A_584, %iota3A : vector<16xi32>
      %mul3A_586 = arith.constant 1000 : i32
      %mul3A_587 = vector.broadcast %mul3A_586 : i32 to vector<16xi32>
      %mul3A_588 = arith.muli %add3A_585, %mul3A_587 : vector<16xi32>
      %add3A_589 = arith.addi %mul3A_588, %get3A_582 : vector<16xi32>
      tpu.vector_store_idx %arg7[%add3A_589], %get3A_550 : memref<50000xf32, #tpu.memory_space<vmem>>[vector<16xi32>], vector<16xf32>,
      %add3A_590 = arith.constant 100 : i32
      %add3A_591 = arith.addi %mul3A_440, %add3A_590 : i32
      %add3A_592 = arith.constant 48 : i32
      %add3A_593 = arith.addi %add3A_591, %add3A_592 : i32
      %get3A_594 = arith.index_cast %add3A_593 : i32 to index
      %get3A_595 = tpu.vector_load %arg5[%get3A_594] {strides = array<i32>} : memref<4816xi32, #tpu.memory_space<vmem>>, vector<16xi32>,
      %add3A_596 = arith.constant 48 : i32
      %add3A_597 = vector.broadcast %add3A_596 : i32 to vector<16xi32>
      %add3A_598 = arith.addi %add3A_597, %iota3A : vector<16xi32>
      %mul3A_599 = arith.constant 1000 : i32
      %mul3A_600 = vector.broadcast %mul3A_599 : i32 to vector<16xi32>
      %mul3A_601 = arith.muli %add3A_598, %mul3A_600 : vector<16xi32>
      %add3A_602 = arith.addi %mul3A_601, %get3A_595 : vector<16xi32>
      tpu.vector_store_idx %arg7[%add3A_602], %get3A_550 masked %lt3A_12 : memref<50000xf32, #tpu.memory_space<vmem>>[vector<16xi32>], vector<16xf32>, vector<16xi1>
      %add3A_603 = arith.addi %mul3A_2, %add3A_272 : i32
      %mul3A_604 = arith.constant 50000 : i32
      %mul3A_605 = arith.muli %add3A_603, %mul3A_604 : i32
      %dma_start3A_606 = tpu.memref_slice %arg4[%mul3A_605] : memref<51200000xf32, #tpu.memory_space<hbm>> -> memref<50000xf32, #tpu.memory_space<hbm>>
      %dma_start3A_607 = tpu.memref_slice %arg4[%mul3A_605] : memref<51200000xf32, #tpu.memory_space<hbm>> -> memref<50000xf32, #tpu.memory_space<hbm>>
      tpu.enqueue_dma source(%arg7 : memref<50000xf32, #tpu.memory_space<vmem>>) target(%dma_start3A_607 : memref<50000xf32, #tpu.memory_space<hbm>>) target_semaphore(%arg9 : memref<!tpu.dma_semaphore, #tpu.memory_space<semaphore_mem>>)
      %mul3A_608 = arith.constant 2 : i32
      %mul3A_609 = arith.muli %mul3A_608, %scan3A_268 : i32
      %add3A_610 = arith.constant 1 : i32
      %add3A_611 = arith.addi %mul3A_609, %add3A_610 : i32
      %sub3A_612 = arith.constant 2 : i32
      %sub3A_613 = arith.subi %add3A_611, %sub3A_612 : i32
      %add3A_614 = arith.addi %mul3A_2, %sub3A_613 : i32
      %mul3A_615 = arith.constant 50000 : i32
      %mul3A_616 = arith.muli %add3A_614, %mul3A_615 : i32
      %dma_wait3A_617 = tpu.memref_slice %arg4[%mul3A_616] : memref<51200000xf32, #tpu.memory_space<hbm>> -> memref<50000xf32, #tpu.memory_space<hbm>>
      %dma_wait3A_618 = tpu.memref_slice %arg4[%mul3A_616] : memref<51200000xf32, #tpu.memory_space<hbm>> -> memref<50000xf32, #tpu.memory_space<hbm>>
      tpu.wait_dma2 semaphore(%arg10 : memref<!tpu.dma_semaphore, #tpu.memory_space<semaphore_mem>>) src(%arg8 : memref<50000xf32, #tpu.memory_space<vmem>>) dst(%dma_wait3A_618 : memref<50000xf32, #tpu.memory_space<hbm>>)
      %sub3A_619 = arith.constant 2 : i32
      %sub3A_620 = arith.subi %add3A_611, %sub3A_619 : i32
      %mul3A_621 = arith.constant 150 : i32
      %mul3A_622 = arith.muli %sub3A_620, %mul3A_621 : i32
      %add3A_623 = arith.constant 0 : i32
      %add3A_624 = arith.addi %mul3A_622, %add3A_623 : i32
      %add3A_625 = arith.constant 0 : i32
      %add3A_626 = arith.addi %add3A_624, %add3A_625 : i32
      %get3A_627 = arith.index_cast %add3A_626 : i32 to index
      %get3A_628 = tpu.vector_load %arg5[%get3A_627] {strides = array<i32>} : memref<4816xi32, #tpu.memory_space<vmem>>, vector<16xi32>,
      %add3A_629 = arith.constant 0 : i32
      %add3A_630 = vector.broadcast %add3A_629 : i32 to vector<16xi32>
      %add3A_631 = arith.addi %add3A_630, %iota3A : vector<16xi32>
      %mul3A_632 = arith.constant 1000 : i32
      %mul3A_633 = vector.broadcast %mul3A_632 : i32 to vector<16xi32>
      %mul3A_634 = arith.muli %add3A_631, %mul3A_633 : vector<16xi32>
      %add3A_635 = arith.addi %mul3A_634, %get3A_628 : vector<16xi32>
      tpu.vector_store_idx %arg8[%add3A_635], %broadcast_in_dim3A_5 : memref<50000xf32, #tpu.memory_space<vmem>>[vector<16xi32>], vector<16xf32>,
      %add3A_636 = arith.constant 0 : i32
      %add3A_637 = arith.addi %mul3A_622, %add3A_636 : i32
      %add3A_638 = arith.constant 16 : i32
      %add3A_639 = arith.addi %add3A_637, %add3A_638 : i32
      %get3A_640 = arith.index_cast %add3A_639 : i32 to index
      %get3A_641 = tpu.vector_load %arg5[%get3A_640] {strides = array<i32>} : memref<4816xi32, #tpu.memory_space<vmem>>, vector<16xi32>,
      %add3A_642 = arith.constant 16 : i32
      %add3A_643 = vector.broadcast %add3A_642 : i32 to vector<16xi32>
      %add3A_644 = arith.addi %add3A_643, %iota3A : vector<16xi32>
      %mul3A_645 = arith.constant 1000 : i32
      %mul3A_646 = vector.broadcast %mul3A_645 : i32 to vector<16xi32>
      %mul3A_647 = arith.muli %add3A_644, %mul3A_646 : vector<16xi32>
      %add3A_648 = arith.addi %mul3A_647, %get3A_641 : vector<16xi32>
      tpu.vector_store_idx %arg8[%add3A_648], %broadcast_in_dim3A_5 : memref<50000xf32, #tpu.memory_space<vmem>>[vector<16xi32>], vector<16xf32>,
      %add3A_649 = arith.constant 0 : i32
      %add3A_650 = arith.addi %mul3A_622, %add3A_649 : i32
      %add3A_651 = arith.constant 32 : i32
      %add3A_652 = arith.addi %add3A_650, %add3A_651 : i32
      %get3A_653 = arith.index_cast %add3A_652 : i32 to index
      %get3A_654 = tpu.vector_load %arg5[%get3A_653] {strides = array<i32>} : memref<4816xi32, #tpu.memory_space<vmem>>, vector<16xi32>,
      %add3A_655 = arith.constant 32 : i32
      %add3A_656 = vector.broadcast %add3A_655 : i32 to vector<16xi32>
      %add3A_657 = arith.addi %add3A_656, %iota3A : vector<16xi32>
      %mul3A_658 = arith.constant 1000 : i32
      %mul3A_659 = vector.broadcast %mul3A_658 : i32 to vector<16xi32>
      %mul3A_660 = arith.muli %add3A_657, %mul3A_659 : vector<16xi32>
      %add3A_661 = arith.addi %mul3A_660, %get3A_654 : vector<16xi32>
      tpu.vector_store_idx %arg8[%add3A_661], %broadcast_in_dim3A_5 : memref<50000xf32, #tpu.memory_space<vmem>>[vector<16xi32>], vector<16xf32>,
      %add3A_662 = arith.constant 0 : i32
      %add3A_663 = arith.addi %mul3A_622, %add3A_662 : i32
      %add3A_664 = arith.constant 48 : i32
      %add3A_665 = arith.addi %add3A_663, %add3A_664 : i32
      %get3A_666 = arith.index_cast %add3A_665 : i32 to index
      %get3A_667 = tpu.vector_load %arg5[%get3A_666] {strides = array<i32>} : memref<4816xi32, #tpu.memory_space<vmem>>, vector<16xi32>,
      %add3A_668 = arith.constant 48 : i32
      %add3A_669 = vector.broadcast %add3A_668 : i32 to vector<16xi32>
      %add3A_670 = arith.addi %add3A_669, %iota3A : vector<16xi32>
      %mul3A_671 = arith.constant 1000 : i32
      %mul3A_672 = vector.broadcast %mul3A_671 : i32 to vector<16xi32>
      %mul3A_673 = arith.muli %add3A_670, %mul3A_672 : vector<16xi32>
      %add3A_674 = arith.addi %mul3A_673, %get3A_667 : vector<16xi32>
      tpu.vector_store_idx %arg8[%add3A_674], %broadcast_in_dim3A_5 masked %lt3A_12 : memref<50000xf32, #tpu.memory_space<vmem>>[vector<16xi32>], vector<16xf32>, vector<16xi1>
      %add3A_675 = arith.constant 50 : i32
      %add3A_676 = arith.addi %mul3A_622, %add3A_675 : i32
      %add3A_677 = arith.constant 0 : i32
      %add3A_678 = arith.addi %add3A_676, %add3A_677 : i32
      %get3A_679 = arith.index_cast %add3A_678 : i32 to index
      %get3A_680 = tpu.vector_load %arg5[%get3A_679] {strides = array<i32>} : memref<4816xi32, #tpu.memory_space<vmem>>, vector<16xi32>,
      %add3A_681 = arith.constant 0 : i32
      %add3A_682 = vector.broadcast %add3A_681 : i32 to vector<16xi32>
      %add3A_683 = arith.addi %add3A_682, %iota3A : vector<16xi32>
      %mul3A_684 = arith.constant 1000 : i32
      %mul3A_685 = vector.broadcast %mul3A_684 : i32 to vector<16xi32>
      %mul3A_686 = arith.muli %add3A_683, %mul3A_685 : vector<16xi32>
      %add3A_687 = arith.addi %mul3A_686, %get3A_680 : vector<16xi32>
      tpu.vector_store_idx %arg8[%add3A_687], %broadcast_in_dim3A_5 : memref<50000xf32, #tpu.memory_space<vmem>>[vector<16xi32>], vector<16xf32>,
      %add3A_688 = arith.constant 50 : i32
      %add3A_689 = arith.addi %mul3A_622, %add3A_688 : i32
      %add3A_690 = arith.constant 16 : i32
      %add3A_691 = arith.addi %add3A_689, %add3A_690 : i32
      %get3A_692 = arith.index_cast %add3A_691 : i32 to index
      %get3A_693 = tpu.vector_load %arg5[%get3A_692] {strides = array<i32>} : memref<4816xi32, #tpu.memory_space<vmem>>, vector<16xi32>,
      %add3A_694 = arith.constant 16 : i32
      %add3A_695 = vector.broadcast %add3A_694 : i32 to vector<16xi32>
      %add3A_696 = arith.addi %add3A_695, %iota3A : vector<16xi32>
      %mul3A_697 = arith.constant 1000 : i32
      %mul3A_698 = vector.broadcast %mul3A_697 : i32 to vector<16xi32>
      %mul3A_699 = arith.muli %add3A_696, %mul3A_698 : vector<16xi32>
      %add3A_700 = arith.addi %mul3A_699, %get3A_693 : vector<16xi32>
      tpu.vector_store_idx %arg8[%add3A_700], %broadcast_in_dim3A_5 : memref<50000xf32, #tpu.memory_space<vmem>>[vector<16xi32>], vector<16xf32>,
      %add3A_701 = arith.constant 50 : i32
      %add3A_702 = arith.addi %mul3A_622, %add3A_701 : i32
      %add3A_703 = arith.constant 32 : i32
      %add3A_704 = arith.addi %add3A_702, %add3A_703 : i32
      %get3A_705 = arith.index_cast %add3A_704 : i32 to index
      %get3A_706 = tpu.vector_load %arg5[%get3A_705] {strides = array<i32>} : memref<4816xi32, #tpu.memory_space<vmem>>, vector<16xi32>,
      %add3A_707 = arith.constant 32 : i32
      %add3A_708 = vector.broadcast %add3A_707 : i32 to vector<16xi32>
      %add3A_709 = arith.addi %add3A_708, %iota3A : vector<16xi32>
      %mul3A_710 = arith.constant 1000 : i32
      %mul3A_711 = vector.broadcast %mul3A_710 : i32 to vector<16xi32>
      %mul3A_712 = arith.muli %add3A_709, %mul3A_711 : vector<16xi32>
      %add3A_713 = arith.addi %mul3A_712, %get3A_706 : vector<16xi32>
      tpu.vector_store_idx %arg8[%add3A_713], %broadcast_in_dim3A_5 : memref<50000xf32, #tpu.memory_space<vmem>>[vector<16xi32>], vector<16xf32>,
      %add3A_714 = arith.constant 50 : i32
      %add3A_715 = arith.addi %mul3A_622, %add3A_714 : i32
      %add3A_716 = arith.constant 48 : i32
      %add3A_717 = arith.addi %add3A_715, %add3A_716 : i32
      %get3A_718 = arith.index_cast %add3A_717 : i32 to index
      %get3A_719 = tpu.vector_load %arg5[%get3A_718] {strides = array<i32>} : memref<4816xi32, #tpu.memory_space<vmem>>, vector<16xi32>,
      %add3A_720 = arith.constant 48 : i32
      %add3A_721 = vector.broadcast %add3A_720 : i32 to vector<16xi32>
      %add3A_722 = arith.addi %add3A_721, %iota3A : vector<16xi32>
      %mul3A_723 = arith.constant 1000 : i32
      %mul3A_724 = vector.broadcast %mul3A_723 : i32 to vector<16xi32>
      %mul3A_725 = arith.muli %add3A_722, %mul3A_724 : vector<16xi32>
      %add3A_726 = arith.addi %mul3A_725, %get3A_719 : vector<16xi32>
      tpu.vector_store_idx %arg8[%add3A_726], %broadcast_in_dim3A_5 masked %lt3A_12 : memref<50000xf32, #tpu.memory_space<vmem>>[vector<16xi32>], vector<16xf32>, vector<16xi1>
      %add3A_727 = arith.constant 100 : i32
      %add3A_728 = arith.addi %mul3A_622, %add3A_727 : i32
      %add3A_729 = arith.constant 0 : i32
      %add3A_730 = arith.addi %add3A_728, %add3A_729 : i32
      %get3A_731 = arith.index_cast %add3A_730 : i32 to index
      %get3A_732 = tpu.vector_load %arg5[%get3A_731] {strides = array<i32>} : memref<4816xi32, #tpu.memory_space<vmem>>, vector<16xi32>,
      %add3A_733 = arith.constant 0 : i32
      %add3A_734 = vector.broadcast %add3A_733 : i32 to vector<16xi32>
      %add3A_735 = arith.addi %add3A_734, %iota3A : vector<16xi32>
      %mul3A_736 = arith.constant 1000 : i32
      %mul3A_737 = vector.broadcast %mul3A_736 : i32 to vector<16xi32>
      %mul3A_738 = arith.muli %add3A_735, %mul3A_737 : vector<16xi32>
      %add3A_739 = arith.addi %mul3A_738, %get3A_732 : vector<16xi32>
      tpu.vector_store_idx %arg8[%add3A_739], %broadcast_in_dim3A_5 : memref<50000xf32, #tpu.memory_space<vmem>>[vector<16xi32>], vector<16xf32>,
      %add3A_740 = arith.constant 100 : i32
      %add3A_741 = arith.addi %mul3A_622, %add3A_740 : i32
      %add3A_742 = arith.constant 16 : i32
      %add3A_743 = arith.addi %add3A_741, %add3A_742 : i32
      %get3A_744 = arith.index_cast %add3A_743 : i32 to index
      %get3A_745 = tpu.vector_load %arg5[%get3A_744] {strides = array<i32>} : memref<4816xi32, #tpu.memory_space<vmem>>, vector<16xi32>,
      %add3A_746 = arith.constant 16 : i32
      %add3A_747 = vector.broadcast %add3A_746 : i32 to vector<16xi32>
      %add3A_748 = arith.addi %add3A_747, %iota3A : vector<16xi32>
      %mul3A_749 = arith.constant 1000 : i32
      %mul3A_750 = vector.broadcast %mul3A_749 : i32 to vector<16xi32>
      %mul3A_751 = arith.muli %add3A_748, %mul3A_750 : vector<16xi32>
      %add3A_752 = arith.addi %mul3A_751, %get3A_745 : vector<16xi32>
      tpu.vector_store_idx %arg8[%add3A_752], %broadcast_in_dim3A_5 : memref<50000xf32, #tpu.memory_space<vmem>>[vector<16xi32>], vector<16xf32>,
      %add3A_753 = arith.constant 100 : i32
      %add3A_754 = arith.addi %mul3A_622, %add3A_753 : i32
      %add3A_755 = arith.constant 32 : i32
      %add3A_756 = arith.addi %add3A_754, %add3A_755 : i32
      %get3A_757 = arith.index_cast %add3A_756 : i32 to index
      %get3A_758 = tpu.vector_load %arg5[%get3A_757] {strides = array<i32>} : memref<4816xi32, #tpu.memory_space<vmem>>, vector<16xi32>,
      %add3A_759 = arith.constant 32 : i32
      %add3A_760 = vector.broadcast %add3A_759 : i32 to vector<16xi32>
      %add3A_761 = arith.addi %add3A_760, %iota3A : vector<16xi32>
      %mul3A_762 = arith.constant 1000 : i32
      %mul3A_763 = vector.broadcast %mul3A_762 : i32 to vector<16xi32>
      %mul3A_764 = arith.muli %add3A_761, %mul3A_763 : vector<16xi32>
      %add3A_765 = arith.addi %mul3A_764, %get3A_758 : vector<16xi32>
      tpu.vector_store_idx %arg8[%add3A_765], %broadcast_in_dim3A_5 : memref<50000xf32, #tpu.memory_space<vmem>>[vector<16xi32>], vector<16xf32>,
      %add3A_766 = arith.constant 100 : i32
      %add3A_767 = arith.addi %mul3A_622, %add3A_766 : i32
      %add3A_768 = arith.constant 48 : i32
      %add3A_769 = arith.addi %add3A_767, %add3A_768 : i32
      %get3A_770 = arith.index_cast %add3A_769 : i32 to index
      %get3A_771 = tpu.vector_load %arg5[%get3A_770] {strides = array<i32>} : memref<4816xi32, #tpu.memory_space<vmem>>, vector<16xi32>,
      %add3A_772 = arith.constant 48 : i32
      %add3A_773 = vector.broadcast %add3A_772 : i32 to vector<16xi32>
      %add3A_774 = arith.addi %add3A_773, %iota3A : vector<16xi32>
      %mul3A_775 = arith.constant 1000 : i32
      %mul3A_776 = vector.broadcast %mul3A_775 : i32 to vector<16xi32>
      %mul3A_777 = arith.muli %add3A_774, %mul3A_776 : vector<16xi32>
      %add3A_778 = arith.addi %mul3A_777, %get3A_771 : vector<16xi32>
      tpu.vector_store_idx %arg8[%add3A_778], %broadcast_in_dim3A_5 masked %lt3A_12 : memref<50000xf32, #tpu.memory_space<vmem>>[vector<16xi32>], vector<16xf32>, vector<16xi1>
      %mul3A_779 = arith.constant 150 : i32
      %mul3A_780 = arith.muli %add3A_611, %mul3A_779 : i32
      %get3A_781 = arith.constant 0 : index
      %get3A_782 = tpu.vector_load %arg6[%get3A_781] {strides = array<i32>} : memref<48xf32, #tpu.memory_space<vmem>>, vector<16xf32>,
      %add3A_783 = arith.constant 0 : i32
      %add3A_784 = arith.addi %mul3A_780, %add3A_783 : i32
      %add3A_785 = arith.constant 0 : i32
      %add3A_786 = arith.addi %add3A_784, %add3A_785 : i32
      %get3A_787 = arith.index_cast %add3A_786 : i32 to index
      %get3A_788 = tpu.vector_load %arg5[%get3A_787] {strides = array<i32>} : memref<4816xi32, #tpu.memory_space<vmem>>, vector<16xi32>,
      %add3A_789 = arith.constant 0 : i32
      %add3A_790 = vector.broadcast %add3A_789 : i32 to vector<16xi32>
      %add3A_791 = arith.addi %add3A_790, %iota3A : vector<16xi32>
      %mul3A_792 = arith.constant 1000 : i32
      %mul3A_793 = vector.broadcast %mul3A_792 : i32 to vector<16xi32>
      %mul3A_794 = arith.muli %add3A_791, %mul3A_793 : vector<16xi32>
      %add3A_795 = arith.addi %mul3A_794, %get3A_788 : vector<16xi32>
      tpu.vector_store_idx %arg8[%add3A_795], %get3A_782 : memref<50000xf32, #tpu.memory_space<vmem>>[vector<16xi32>], vector<16xf32>,
      %add3A_796 = arith.constant 0 : i32
      %add3A_797 = arith.addi %mul3A_780, %add3A_796 : i32
      %add3A_798 = arith.constant 16 : i32
      %add3A_799 = arith.addi %add3A_797, %add3A_798 : i32
      %get3A_800 = arith.index_cast %add3A_799 : i32 to index
      %get3A_801 = tpu.vector_load %arg5[%get3A_800] {strides = array<i32>} : memref<4816xi32, #tpu.memory_space<vmem>>, vector<16xi32>,
      %add3A_802 = arith.constant 16 : i32
      %add3A_803 = vector.broadcast %add3A_802 : i32 to vector<16xi32>
      %add3A_804 = arith.addi %add3A_803, %iota3A : vector<16xi32>
      %mul3A_805 = arith.constant 1000 : i32
      %mul3A_806 = vector.broadcast %mul3A_805 : i32 to vector<16xi32>
      %mul3A_807 = arith.muli %add3A_804, %mul3A_806 : vector<16xi32>
      %add3A_808 = arith.addi %mul3A_807, %get3A_801 : vector<16xi32>
      tpu.vector_store_idx %arg8[%add3A_808], %get3A_782 : memref<50000xf32, #tpu.memory_space<vmem>>[vector<16xi32>], vector<16xf32>,
      %add3A_809 = arith.constant 0 : i32
      %add3A_810 = arith.addi %mul3A_780, %add3A_809 : i32
      %add3A_811 = arith.constant 32 : i32
      %add3A_812 = arith.addi %add3A_810, %add3A_811 : i32
      %get3A_813 = arith.index_cast %add3A_812 : i32 to index
      %get3A_814 = tpu.vector_load %arg5[%get3A_813] {strides = array<i32>} : memref<4816xi32, #tpu.memory_space<vmem>>, vector<16xi32>,
      %add3A_815 = arith.constant 32 : i32
      %add3A_816 = vector.broadcast %add3A_815 : i32 to vector<16xi32>
      %add3A_817 = arith.addi %add3A_816, %iota3A : vector<16xi32>
      %mul3A_818 = arith.constant 1000 : i32
      %mul3A_819 = vector.broadcast %mul3A_818 : i32 to vector<16xi32>
      %mul3A_820 = arith.muli %add3A_817, %mul3A_819 : vector<16xi32>
      %add3A_821 = arith.addi %mul3A_820, %get3A_814 : vector<16xi32>
      tpu.vector_store_idx %arg8[%add3A_821], %get3A_782 : memref<50000xf32, #tpu.memory_space<vmem>>[vector<16xi32>], vector<16xf32>,
      %add3A_822 = arith.constant 0 : i32
      %add3A_823 = arith.addi %mul3A_780, %add3A_822 : i32
      %add3A_824 = arith.constant 48 : i32
      %add3A_825 = arith.addi %add3A_823, %add3A_824 : i32
      %get3A_826 = arith.index_cast %add3A_825 : i32 to index
      %get3A_827 = tpu.vector_load %arg5[%get3A_826] {strides = array<i32>} : memref<4816xi32, #tpu.memory_space<vmem>>, vector<16xi32>,
      %add3A_828 = arith.constant 48 : i32
      %add3A_829 = vector.broadcast %add3A_828 : i32 to vector<16xi32>
      %add3A_830 = arith.addi %add3A_829, %iota3A : vector<16xi32>
      %mul3A_831 = arith.constant 1000 : i32
      %mul3A_832 = vector.broadcast %mul3A_831 : i32 to vector<16xi32>
      %mul3A_833 = arith.muli %add3A_830, %mul3A_832 : vector<16xi32>
      %add3A_834 = arith.addi %mul3A_833, %get3A_827 : vector<16xi32>
      tpu.vector_store_idx %arg8[%add3A_834], %get3A_782 masked %lt3A_12 : memref<50000xf32, #tpu.memory_space<vmem>>[vector<16xi32>], vector<16xf32>, vector<16xi1>
      %get3A_835 = arith.constant 16 : index
      %get3A_836 = tpu.vector_load %arg6[%get3A_835] {strides = array<i32>} : memref<48xf32, #tpu.memory_space<vmem>>, vector<16xf32>,
      %add3A_837 = arith.constant 50 : i32
      %add3A_838 = arith.addi %mul3A_780, %add3A_837 : i32
      %add3A_839 = arith.constant 0 : i32
      %add3A_840 = arith.addi %add3A_838, %add3A_839 : i32
      %get3A_841 = arith.index_cast %add3A_840 : i32 to index
      %get3A_842 = tpu.vector_load %arg5[%get3A_841] {strides = array<i32>} : memref<4816xi32, #tpu.memory_space<vmem>>, vector<16xi32>,
      %add3A_843 = arith.constant 0 : i32
      %add3A_844 = vector.broadcast %add3A_843 : i32 to vector<16xi32>
      %add3A_845 = arith.addi %add3A_844, %iota3A : vector<16xi32>
      %mul3A_846 = arith.constant 1000 : i32
      %mul3A_847 = vector.broadcast %mul3A_846 : i32 to vector<16xi32>
      %mul3A_848 = arith.muli %add3A_845, %mul3A_847 : vector<16xi32>
      %add3A_849 = arith.addi %mul3A_848, %get3A_842 : vector<16xi32>
      tpu.vector_store_idx %arg8[%add3A_849], %get3A_836 : memref<50000xf32, #tpu.memory_space<vmem>>[vector<16xi32>], vector<16xf32>,
      %add3A_850 = arith.constant 50 : i32
      %add3A_851 = arith.addi %mul3A_780, %add3A_850 : i32
      %add3A_852 = arith.constant 16 : i32
      %add3A_853 = arith.addi %add3A_851, %add3A_852 : i32
      %get3A_854 = arith.index_cast %add3A_853 : i32 to index
      %get3A_855 = tpu.vector_load %arg5[%get3A_854] {strides = array<i32>} : memref<4816xi32, #tpu.memory_space<vmem>>, vector<16xi32>,
      %add3A_856 = arith.constant 16 : i32
      %add3A_857 = vector.broadcast %add3A_856 : i32 to vector<16xi32>
      %add3A_858 = arith.addi %add3A_857, %iota3A : vector<16xi32>
      %mul3A_859 = arith.constant 1000 : i32
      %mul3A_860 = vector.broadcast %mul3A_859 : i32 to vector<16xi32>
      %mul3A_861 = arith.muli %add3A_858, %mul3A_860 : vector<16xi32>
      %add3A_862 = arith.addi %mul3A_861, %get3A_855 : vector<16xi32>
      tpu.vector_store_idx %arg8[%add3A_862], %get3A_836 : memref<50000xf32, #tpu.memory_space<vmem>>[vector<16xi32>], vector<16xf32>,
      %add3A_863 = arith.constant 50 : i32
      %add3A_864 = arith.addi %mul3A_780, %add3A_863 : i32
      %add3A_865 = arith.constant 32 : i32
      %add3A_866 = arith.addi %add3A_864, %add3A_865 : i32
      %get3A_867 = arith.index_cast %add3A_866 : i32 to index
      %get3A_868 = tpu.vector_load %arg5[%get3A_867] {strides = array<i32>} : memref<4816xi32, #tpu.memory_space<vmem>>, vector<16xi32>,
      %add3A_869 = arith.constant 32 : i32
      %add3A_870 = vector.broadcast %add3A_869 : i32 to vector<16xi32>
      %add3A_871 = arith.addi %add3A_870, %iota3A : vector<16xi32>
      %mul3A_872 = arith.constant 1000 : i32
      %mul3A_873 = vector.broadcast %mul3A_872 : i32 to vector<16xi32>
      %mul3A_874 = arith.muli %add3A_871, %mul3A_873 : vector<16xi32>
      %add3A_875 = arith.addi %mul3A_874, %get3A_868 : vector<16xi32>
      tpu.vector_store_idx %arg8[%add3A_875], %get3A_836 : memref<50000xf32, #tpu.memory_space<vmem>>[vector<16xi32>], vector<16xf32>,
      %add3A_876 = arith.constant 50 : i32
      %add3A_877 = arith.addi %mul3A_780, %add3A_876 : i32
      %add3A_878 = arith.constant 48 : i32
      %add3A_879 = arith.addi %add3A_877, %add3A_878 : i32
      %get3A_880 = arith.index_cast %add3A_879 : i32 to index
      %get3A_881 = tpu.vector_load %arg5[%get3A_880] {strides = array<i32>} : memref<4816xi32, #tpu.memory_space<vmem>>, vector<16xi32>,
      %add3A_882 = arith.constant 48 : i32
      %add3A_883 = vector.broadcast %add3A_882 : i32 to vector<16xi32>
      %add3A_884 = arith.addi %add3A_883, %iota3A : vector<16xi32>
      %mul3A_885 = arith.constant 1000 : i32
      %mul3A_886 = vector.broadcast %mul3A_885 : i32 to vector<16xi32>
      %mul3A_887 = arith.muli %add3A_884, %mul3A_886 : vector<16xi32>
      %add3A_888 = arith.addi %mul3A_887, %get3A_881 : vector<16xi32>
      tpu.vector_store_idx %arg8[%add3A_888], %get3A_836 masked %lt3A_12 : memref<50000xf32, #tpu.memory_space<vmem>>[vector<16xi32>], vector<16xf32>, vector<16xi1>
      %get3A_889 = arith.constant 32 : index
      %get3A_890 = tpu.vector_load %arg6[%get3A_889] {strides = array<i32>} : memref<48xf32, #tpu.memory_space<vmem>>, vector<16xf32>,
      %add3A_891 = arith.constant 100 : i32
      %add3A_892 = arith.addi %mul3A_780, %add3A_891 : i32
      %add3A_893 = arith.constant 0 : i32
      %add3A_894 = arith.addi %add3A_892, %add3A_893 : i32
      %get3A_895 = arith.index_cast %add3A_894 : i32 to index
      %get3A_896 = tpu.vector_load %arg5[%get3A_895] {strides = array<i32>} : memref<4816xi32, #tpu.memory_space<vmem>>, vector<16xi32>,
      %add3A_897 = arith.constant 0 : i32
      %add3A_898 = vector.broadcast %add3A_897 : i32 to vector<16xi32>
      %add3A_899 = arith.addi %add3A_898, %iota3A : vector<16xi32>
      %mul3A_900 = arith.constant 1000 : i32
      %mul3A_901 = vector.broadcast %mul3A_900 : i32 to vector<16xi32>
      %mul3A_902 = arith.muli %add3A_899, %mul3A_901 : vector<16xi32>
      %add3A_903 = arith.addi %mul3A_902, %get3A_896 : vector<16xi32>
      tpu.vector_store_idx %arg8[%add3A_903], %get3A_890 : memref<50000xf32, #tpu.memory_space<vmem>>[vector<16xi32>], vector<16xf32>,
      %add3A_904 = arith.constant 100 : i32
      %add3A_905 = arith.addi %mul3A_780, %add3A_904 : i32
      %add3A_906 = arith.constant 16 : i32
      %add3A_907 = arith.addi %add3A_905, %add3A_906 : i32
      %get3A_908 = arith.index_cast %add3A_907 : i32 to index
      %get3A_909 = tpu.vector_load %arg5[%get3A_908] {strides = array<i32>} : memref<4816xi32, #tpu.memory_space<vmem>>, vector<16xi32>,
      %add3A_910 = arith.constant 16 : i32
      %add3A_911 = vector.broadcast %add3A_910 : i32 to vector<16xi32>
      %add3A_912 = arith.addi %add3A_911, %iota3A : vector<16xi32>
      %mul3A_913 = arith.constant 1000 : i32
      %mul3A_914 = vector.broadcast %mul3A_913 : i32 to vector<16xi32>
      %mul3A_915 = arith.muli %add3A_912, %mul3A_914 : vector<16xi32>
      %add3A_916 = arith.addi %mul3A_915, %get3A_909 : vector<16xi32>
      tpu.vector_store_idx %arg8[%add3A_916], %get3A_890 : memref<50000xf32, #tpu.memory_space<vmem>>[vector<16xi32>], vector<16xf32>,
      %add3A_917 = arith.constant 100 : i32
      %add3A_918 = arith.addi %mul3A_780, %add3A_917 : i32
      %add3A_919 = arith.constant 32 : i32
      %add3A_920 = arith.addi %add3A_918, %add3A_919 : i32
      %get3A_921 = arith.index_cast %add3A_920 : i32 to index
      %get3A_922 = tpu.vector_load %arg5[%get3A_921] {strides = array<i32>} : memref<4816xi32, #tpu.memory_space<vmem>>, vector<16xi32>,
      %add3A_923 = arith.constant 32 : i32
      %add3A_924 = vector.broadcast %add3A_923 : i32 to vector<16xi32>
      %add3A_925 = arith.addi %add3A_924, %iota3A : vector<16xi32>
      %mul3A_926 = arith.constant 1000 : i32
      %mul3A_927 = vector.broadcast %mul3A_926 : i32 to vector<16xi32>
      %mul3A_928 = arith.muli %add3A_925, %mul3A_927 : vector<16xi32>
      %add3A_929 = arith.addi %mul3A_928, %get3A_922 : vector<16xi32>
      tpu.vector_store_idx %arg8[%add3A_929], %get3A_890 : memref<50000xf32, #tpu.memory_space<vmem>>[vector<16xi32>], vector<16xf32>,
      %add3A_930 = arith.constant 100 : i32
      %add3A_931 = arith.addi %mul3A_780, %add3A_930 : i32
      %add3A_932 = arith.constant 48 : i32
      %add3A_933 = arith.addi %add3A_931, %add3A_932 : i32
      %get3A_934 = arith.index_cast %add3A_933 : i32 to index
      %get3A_935 = tpu.vector_load %arg5[%get3A_934] {strides = array<i32>} : memref<4816xi32, #tpu.memory_space<vmem>>, vector<16xi32>,
      %add3A_936 = arith.constant 48 : i32
      %add3A_937 = vector.broadcast %add3A_936 : i32 to vector<16xi32>
      %add3A_938 = arith.addi %add3A_937, %iota3A : vector<16xi32>
      %mul3A_939 = arith.constant 1000 : i32
      %mul3A_940 = vector.broadcast %mul3A_939 : i32 to vector<16xi32>
      %mul3A_941 = arith.muli %add3A_938, %mul3A_940 : vector<16xi32>
      %add3A_942 = arith.addi %mul3A_941, %get3A_935 : vector<16xi32>
      tpu.vector_store_idx %arg8[%add3A_942], %get3A_890 masked %lt3A_12 : memref<50000xf32, #tpu.memory_space<vmem>>[vector<16xi32>], vector<16xf32>, vector<16xi1>
      %add3A_943 = arith.addi %mul3A_2, %add3A_611 : i32
      %mul3A_944 = arith.constant 50000 : i32
      %mul3A_945 = arith.muli %add3A_943, %mul3A_944 : i32
      %dma_start3A_946 = tpu.memref_slice %arg4[%mul3A_945] : memref<51200000xf32, #tpu.memory_space<hbm>> -> memref<50000xf32, #tpu.memory_space<hbm>>
      %dma_start3A_947 = tpu.memref_slice %arg4[%mul3A_945] : memref<51200000xf32, #tpu.memory_space<hbm>> -> memref<50000xf32, #tpu.memory_space<hbm>>
      tpu.enqueue_dma source(%arg8 : memref<50000xf32, #tpu.memory_space<vmem>>) target(%dma_start3A_947 : memref<50000xf32, #tpu.memory_space<hbm>>) target_semaphore(%arg10 : memref<!tpu.dma_semaphore, #tpu.memory_space<semaphore_mem>>)
    }
    %scan3A_256 = arith.constant 15 : i32
    %add3A_257 = arith.constant 30 : i32
    %add3A_258 = arith.addi %mul3A_2, %add3A_257 : i32
    %mul3A_259 = arith.constant 50000 : i32
    %mul3A_260 = arith.muli %add3A_258, %mul3A_259 : i32
    %dma_wait3A = tpu.memref_slice %arg4[%mul3A_260] : memref<51200000xf32, #tpu.memory_space<hbm>> -> memref<50000xf32, #tpu.memory_space<hbm>>
    %dma_wait3A_261 = tpu.memref_slice %arg4[%mul3A_260] : memref<51200000xf32, #tpu.memory_space<hbm>> -> memref<50000xf32, #tpu.memory_space<hbm>>
    tpu.wait_dma2 semaphore(%arg9 : memref<!tpu.dma_semaphore, #tpu.memory_space<semaphore_mem>>) src(%arg7 : memref<50000xf32, #tpu.memory_space<vmem>>) dst(%dma_wait3A_261 : memref<50000xf32, #tpu.memory_space<hbm>>)
    %add3A_262 = arith.constant 31 : i32
    %add3A_263 = arith.addi %mul3A_2, %add3A_262 : i32
    %mul3A_264 = arith.constant 50000 : i32
    %mul3A_265 = arith.muli %add3A_263, %mul3A_264 : i32
    %dma_wait3A_266 = tpu.memref_slice %arg4[%mul3A_265] : memref<51200000xf32, #tpu.memory_space<hbm>> -> memref<50000xf32, #tpu.memory_space<hbm>>
    %dma_wait3A_267 = tpu.memref_slice %arg4[%mul3A_265] : memref<51200000xf32, #tpu.memory_space<hbm>> -> memref<50000xf32, #tpu.memory_space<hbm>>
    tpu.wait_dma2 semaphore(%arg10 : memref<!tpu.dma_semaphore, #tpu.memory_space<semaphore_mem>>) src(%arg8 : memref<50000xf32, #tpu.memory_space<vmem>>) dst(%dma_wait3A_267 : memref<50000xf32, #tpu.memory_space<hbm>>)
    return
  }
}

</mosaic_0001>

<sc_bundles>
// kernel: kernel.3.cloned.1.call-start
scs
__scs_entry_jumppad:
0x0: {  	(pc) =	sbr.rel $0x88, $3  }
0x1: {  	(tag) =	ssettag $0x0;
	lr =	simm.s32 $0x1  }
0x2: {  	[smem:$0x3F9F] =	sst lr;
	_ =	strace $0xD0000000  }
0x3: {  	_ = 	snop  }
0x4: {  	_ = 	snop  }
0x5: {  	_ = 	snop  }
0x6: {  	_ = 	snop  }
0x7: {  	_ = 	snop  }
__scs_overlays_trampoline_lowered:
0x8: {  	[smem:$0x3FAE] =	sst s0  }
0x9: {  	[smem:$0x3FAF] =	sst s1  }
0xa: {  	[smem:$0x3FB0] =	sst s2  }
0xb: {  	[smem:$0x3FB1] =	sst s3  }
0xc: {  	[smem:$0x3FB2] =	sst s4  }
0xd: {  	[smem:$0x3FB3] =	sst s5  }
0xe: {  	[smem:$0x3FB4] =	sst s6  }
0xf: {  	[smem:$0x3FB5] =	sst s7  }
0x10: {  	[smem:$0x3FB6] =	sst s8  }
0x11: {  	[smem:$0x3FB7] =	sst s9;
	s0 =	simm.s32 @!p0 $0x0  }
0x12: {  	s1 =	sld [smem:$0x3F9D];
	s0 =	simm.s32 @p0 $0x1  }
0x13: {  	[smem:$0x3FB8] =	sst s0;
	s0 =	simm.s32 @!p1 $0x0  }
0x14: {  	s2 =	sld [smem:$0x3F9C];
	s0 =	simm.s32 @p1 $0x1  }
0x15: {  	[smem:$0x3FB9] =	sst s0;
	s0 =	simm.s32 @!p2 $0x0  }
0x16: {  	s3 =	sld [smem:$0x3FDB];
	s0 =	simm.s32 @p2 $0x1  }
0x17: {  	s4 =	simm.s32 $0x1BF5;
	[smem:$0x3FBB] =	sst s0  }
0x18: {  	s0 =	sld [smem:$0x3F9E];
	_ =	swait.ge [sflag:s4], $0x0  }
0x19: {  	s7 =	sld [smem:$0x3F9F]  }
0x1a: {  	s8 =	sadd.s32 $0xFFFFE003, lr  }
0x1b: {  	s9 =	sadd.s32 $0xFFFFFEF7, lr;
	s5 =	simm.s32 $0xFFFFFFFF;
	p2 =	slt.u32 s8, $0xFFFFF086  }
0x1c: {  	p1 =	slt.u32 s9, $0xF7A;
	s5 =	simm.s32 @!p2 $0x0  }
0x1d: {  	s5 =	simm.s32 @p1 $0x1;
	p0 =	seq.s32 s7, s2  }
0x1e: {  	s7 =	smul.u32 @!p0 $0xF7A, s2;
	p2 =	seq.s32 @!p0 s5, $0x0  }
0x1f: {  	s9 =	smul.u32 $0xF7A, s1;
	s8 =	simm.s32 @!p0 $0x1BF5;
	p2 =	por !p2, p0  }
0x20: {  	[sflag:s8] =	ssyncset.s32 @!p0 $0xFFFFF086;
	s6 =	sadd.s32 @!p0 s3, s7;
	s7 =	simm.s32 @!p0 $0x108  }
0x21: {  	s3 =	sadd.s32 s3, s9;
	s6 =	sadd.s32 @!p0 $0x88, s6;
	s7 =	simm.s32 @p2 $0x1082  }
0x22: {  	[simem:s7], [sflag:s8] =	dma.local @!p0 [hbm:s6], $0xF7A  }
0x23: {  	s9 =	sor.u32 $0xD0000000, s2;
	s6 =	simm.s32 $0x108;
	_ =	swait.ge @!p0 [sflag:s8], $0x0  }
0x24: {  	s3 =	sadd.s32 $0x88, s3;
	s6 =	simm.s32 @!p1 $0x1082;
	[sflag:s4] =	ssyncset.s32 $0xFFFFF086  }
0x25: {  	[simem:s6], [sflag:s4] =	dma.local [hbm:s3], $0xF7A  }
0x26: {  	[smem:$0x3F9F] =	sst s1;
	(tag) =	ssettag s2;
	_ =	strace s9  }
0x27: {  	s1 =	sld [smem:$0x3FAF]  }
0x28: {  	s2 =	sld [smem:$0x3FB0]  }
0x29: {  	s4 =	sld [smem:$0x3FB2]  }
0x2a: {  	p0 =	seq.s32 s5, $0x0;
	s5 =	sld [smem:$0x3FB3]  }
0x2b: {  	s6 =	sld [smem:$0x3FB4]  }
0x2c: {  	s7 =	sld [smem:$0x3FB5]  }
0x2d: {  	s3 =	simm.s32 $0x108;
	s8 =	sld [smem:$0x3FB6]  }
0x2e: {  	s3 =	simm.s32 @!p0 $0x1082;
	s9 =	sld [smem:$0x3FB7]  }
0x2f: {  	lr =	sadd.s32 s0, s3;
	s0 =	sld [smem:$0x3FAE]  }
0x30: {  	s3 =	sld [smem:$0x3FB1]  }
0x31: {  	[smem:$0x3FBA] =	sst s10  }
0x32: {  	s10 =	sld [smem:$0x3FB8];
	_ =	sdelay $0x3  }
0x33: {  	p0 =	seq.s32 s10, $0x1;
	s10 =	sld [smem:$0x3FBA];
	_ =	sdelay $0x3  }
0x34: {  	[smem:$0x3FBA] =	sst s10  }
0x35: {  	s10 =	sld [smem:$0x3FB9];
	_ =	sdelay $0x3  }
0x36: {  	p1 =	seq.s32 s10, $0x1;
	s10 =	sld [smem:$0x3FBA];
	_ =	sdelay $0x3  }
0x37: {  	[smem:$0x3FBA] =	sst s10  }
0x38: {  	s10 =	sld [smem:$0x3FBB]  }
0x39: {  	_ = 	snop;
	(pc) =	sbr.ind lr, $3  }
0x3a: {  	_ = 	snop  }
0x3b: {  	_ = 	snop  }
0x3c: {  	p2 =	seq.s32 s10, $0x1;
	s10 =	sld [smem:$0x3FBA]  }
0x3d: {  	_ =	shalt  }
0x3e: {  	_ =	shalt  }
0x3f: {  	_ =	shalt  }
0x40: {  	_ =	shalt  }
0x41: {  	_ =	shalt  }
0x42: {  	_ =	shalt  }
0x43: {  	_ =	shalt  }
0x44: {  	_ =	shalt  }
0x45: {  	_ =	shalt  }
0x46: {  	_ =	shalt  }
0x47: {  	_ =	shalt  }
0x48: {  	_ =	shalt  }
0x49: {  	_ =	shalt  }
0x4a: {  	_ =	shalt  }
0x4b: {  	_ =	shalt  }
0x4c: {  	_ =	shalt  }
0x4d: {  	_ =	shalt  }
0x4e: {  	_ =	shalt  }
0x4f: {  	_ =	shalt  }
0x50: {  	_ =	shalt  }
0x51: {  	_ =	shalt  }
0x52: {  	_ =	shalt  }
0x53: {  	_ =	shalt  }
0x54: {  	_ =	shalt  }
0x55: {  	_ =	shalt  }
0x56: {  	_ =	shalt  }
0x57: {  	_ =	shalt  }
0x58: {  	_ =	shalt  }
0x59: {  	_ =	shalt  }
0x5a: {  	_ =	shalt  }
0x5b: {  	_ =	shalt  }
0x5c: {  	_ =	shalt  }
0x5d: {  	_ =	shalt  }
0x5e: {  	_ =	shalt  }
0x5f: {  	_ =	shalt  }
0x60: {  	_ =	shalt  }
0x61: {  	_ =	shalt  }
0x62: {  	_ =	shalt  }
0x63: {  	_ =	shalt  }
0x64: {  	_ =	shalt  }
0x65: {  	_ =	shalt  }
0x66: {  	_ =	shalt  }
0x67: {  	_ =	shalt  }
0x68: {  	_ =	shalt  }
0x69: {  	_ =	shalt  }
0x6a: {  	_ =	shalt  }
0x6b: {  	_ =	shalt  }
0x6c: {  	_ =	shalt  }
0x6d: {  	_ =	shalt  }
0x6e: {  	_ =	shalt  }
0x6f: {  	_ =	shalt  }
0x70: {  	_ =	shalt  }
0x71: {  	_ =	shalt  }
0x72: {  	_ =	shalt  }
0x73: {  	_ =	shalt  }
0x74: {  	_ =	shalt  }
0x75: {  	_ =	shalt  }
0x76: {  	_ =	shalt  }
0x77: {  	_ =	shalt  }
0x78: {  	_ =	shalt  }
0x79: {  	_ =	shalt  }
0x7a: {  	_ =	shalt  }
0x7b: {  	_ =	shalt  }
0x7c: {  	_ =	shalt  }
0x7d: {  	_ =	shalt  }
0x7e: {  	_ =	shalt  }
0x7f: {  	_ =	shalt  }
0x80: {  	_ =	shalt  }
0x81: {  	_ =	shalt  }
0x82: {  	_ =	shalt  }
0x83: {  	_ =	shalt  }
0x84: {  	_ =	shalt  }
0x85: {  	_ =	shalt  }
0x86: {  	_ =	shalt  }
0x87: {  	_ =	shalt  }
.Lfunc_end0:
.L_simem_size_0:
called_computation.1_lowered:
.L_overlay_start_0:
0x88: {  	s2 =	sld [smem:$0x3FD9]  }
0x89: {  	s3 =	sld [smem:$0x3FFE];
	_ =	sdelay $0x1  }
0x8a: {  	s1 =	srdreg.scid  }
0x8b: {  	s0 =	sand.u32 $0x1, s1  }
0x8c: {  	s17 =	sshll.u32 s0, $0xA;
	s2 =	sadd.s32 s3, s2  }
0x8d: {  	s2 =	sadd.s32 s2, s17  }
0x8e: {  	[smem:$0x3FC6] =	sst s2  }
0x8f: {  	_ = 	snop  }
0x90: {  	s2 =	sld [smem:$0x3FD0];
	(tm) =	ssettm $0x1  }
0x91: {  	s18 =	sld [smem:$0x3FFB];
	_ =	sdelay $0x3  }
0x92: {  	_ =	strace s18  }
0x93: {  	s3 =	sld [smem:$0x3FFC];
	_ =	sdelay $0x3  }
0x94: {  	_ =	strace s3  }
0x95: {  	s3 =	sld [smem:$0x3FFD];
	_ =	sdelay $0x3  }
0x96: {  	_ =	strace s3  }
0x97: {  	_ =	strace $0x8FFFFFFF  }
0x98: {  	s19 =	sld [smem:$0x3FDB];
	_ =	sdelay $0x1  }
0x99: {  	s4 =	simm.s32 $_scs_section_size  }
0x9a: {  	s5 =	simm.s32 $_size__tile_overlayer_lowered;
	s6 =	simm.s32 $_tile_overlayer_lowered  }
0x9b: {  	s22 =	simm.s32 $0x1BFF;
	s21 =	sshll.u32 s6, $0x1;
	s3 =	sadd.s32 s4, s19  }
0x9c: {  	s7 =	simm.s32 $0x0;
	s20 =	sshll.u32 s5, $0x1;
	s5 =	sadd.s32 s21, s3  }
0x9d: {  	[timem:s7], [sflag:s22] =	dma.local [hbm:s5], s20  }
0x9e: {  	_ =	swait.ge [sflag:s22], s20  }
0x9f: {  	s4 =	ssub.s32 $0x0, s20;
	[sflag:s22] =	ssyncset.done $0x0  }
0xa0: {  	[sflag:s22] =	ssyncadd.s32 s4;
	_ =	sdelay $0x1  }
0xa1: {  	s23 =	simm.s32 $0x1B8B  }
0xa2: {  	_ =	swait.ge [sflag:s23], $0x1  }
0xa3: {  	[sflag:s23] =	ssyncset.done $0x0  }
0xa4: {  	s25 =	simm.s32 $0x1B8E;
	s24 =	sld [smem:$0x3FFE];
	[sflag:s23] =	ssyncadd.s32 $0xFFFFFFFF  }
0xa5: {  	s26 =	simm.s32 $execute0_lowered;
	[smem:$0x3FD2] =	sst s25  }
0xa6: {  	s5 =	sshll.u32 s26, $0x1;
	_ =	strace $0x80000046;
	[dreg:$0x1] =	wrdreg $0xFFFFFFFF  }
0xa7: {  	s28 =	simm.s32 $_size_execute0_lowered;
	s3 =	sadd.s32 s3, s5;
	[dreg:$0x0] =	wrdreg $0x0  }
0xa8: {  	s5 =	sshll.u32 s28, $0x1;
	[dreg:$0x2] =	wrdreg s3  }
0xa9: {  	[dreg:$0x3] =	wrdreg s5  }
0xaa: {  	[dreg:$0x4] =	wrdreg $0xC0  }
0xab: {  	_ =	task [dreg:s7], $0x5FFFF  }
0xac: {  	[dreg:$0x1] =	wrdreg $0xFFFFFFFF  }
0xad: {  	[dreg:$0x0] =	wrdreg $0x60  }
0xae: {  	[dreg:$0x2] =	wrdreg s24  }
0xaf: {  	[dreg:$0x3] =	wrdreg s2  }
0xb0: {  	[dreg:$0x4] =	wrdreg $0x9  }
0xb1: {  	_ =	task.clear_ibuf [dreg:s7], $0x5FFFF;
	_ =	strace $0x90000046  }
0xb2: {  	s29 =	simm.s32 $0x9;
	_ =	strace $0x80000048  }
0xb3: {  	_ =	swait.ge [sflag:s29], $0x1  }
0xb4: {  	[sflag:s29] =	ssyncadd.s32 $0xFFFFFFFF  }
0xb5: {  	_ =	strace $0x90000048  }
0xb6: {  	_ =	sfence  }
0xb7: {  	s30 =	sld [smem:$0x0];
	_ =	sdelay $0x2  }
0xb8: {  	s31 =	sshll.u32 s1, $0xD;
	s1 =	sshrl.u32 s1, $0x2  }
0xb9: {  	s3 =	sand.u32 $0x4000, s31;
	s1 =	sadd.s32 s1, s30  }
0xba: {  	s0 =	sor.u32 s3, s0;
	s1 =	sshll.u32 s1, $0x11  }
0xbb: {  	s0 =	sor.u32 s1, s0  }
0xbc: {  	s0 =	sadd.s32 $0x8F2B, s0  }
0xbd: {  	[sflag:s0] =	ssyncadd.remote.s32 $0x1  }
0xbe: {  	_ =	sfence.sel $0xFFFF  }
0xbf: {  	[dreg:$0x0] =	wrdreg $0xFFFFFFFF;
	(pc) =	sbr.abs _section_cstart, $3  }
0xc0: {  	[dreg:$0x1] =	wrdreg $0xFFFFFFFF  }
0xc1: {  	_ =	task.clear_ibuf [dreg:s7], $0x2FFFF;
	_ =	strace $0x9FFFFFFF  }
0xc2: {  	(tm) =	ssettm $0x7FFFFFFF  }
0xc3: {  	_ =	shalt  }
tec
execute0_lowered:
.L_overlay_start_1:
0x0: {  	(tag) =	ssettag $0x1  }
0x1: {  	s3 =	rddreg [dreg:$0x0]  }
0x2: {  	s1 =	srdreg.scid;
	s0 =	stileid.u32  }
0x3: {  	s7 =	rddreg [dreg:$0x1];
	s2 =	simm.s32 $0x0;
	s12 =	simm.s32 $0xD700  }
0x4: {  	s13 =	simm.s32 $0x1;
	s14 =	simm.s32 $0x2;
	s15 =	simm.s32 $0x0  }
0x5: {  	s5 =	sand.u32 $0x1, s1;
	s4 =	sshll.u32 s0, $0x1;
	s29 =	smul.u32 $0x61A80, s0  }
0x6: {  	s1 =	rddreg [dreg:$0x2];
	s4 =	sor.u32 s5, s4;
	s31 =	smul.u32 $0x30D40, s5  }
0x7: {  	[smem:$0x7FF] =	sst s2;
	s8 =	ssub.s32 $0x2, s5;
	s6 =	smul.u32 $0x258, s4  }
0x8: {  	_ =	strace $0x80000047;
	s9 =	smul.u32 $0x186A00, s4;
	s10 =	sshrl.u32 s8, $0x1  }
0x9: {  	s11 =	smul.u32 $0x30D40, s4;
	s8 =	ssub.s32 s8, s10;
	s10 =	sadd.s32 s29, s7  }
0xa: {  	v0 =	vlaneseq.u32;
	s6 =	sadd.s32 s6, s3;
	s3 =	sadd.s32 $0x800, s3;
	s9 =	sshrl.u32 s9, $0x3  }
0xb: {  	v0 =	vmul.u32 $0x3E8, v0;
	s5 =	sadd.s32 s7, s11;
	s11 =	simm.s32 $0x1380;
	s4 =	sadd.s32 $0xA00, s6  }
0xc: {  	v1 =	vimm.f32 $0.0e+00;
	s30 =	sadd.s32 s7, s9;
	s7 =	smax.u32 s8, $0x1;
	s8 =	sadd.s32 s31, s10  }
0xd: {  	v2 =	vadd.s32 $0x3E80, v0;
	v3 =	vadd.s32 $0x7D00, v0;
	v4 =	vadd.s32 $0xBB80, v0;
	s9 =	simm.s32 $0x3;
	s10 =	simm.s32 $0x1300;
	s6 =	sadd.s32 $0x186A, s30  }
.LBB2_1:
0xe: {  	[tilespmem:s2], [sflag:$0x3] =	stream.linear.gather [hbm4b:s4+s2], $0x12C0, $0x38;
	[tilespmem:$0x19A80] =	vst v63  }
0xf: {  	_ =	swait.ge [sflag:s9], $0x12C0  }
0x10: {  	[sflag:s9] =	ssyncset.done $0x0  }
0x11: {  	[sflag:s9] =	ssyncadd.s32 $0xFFFFED40  }
0x12: {  	[tilespmem:s10], [sflag:$0x3] =	stream.linear.gather [hbm4b:s3+s2], $0x80, $0x38;
	[tilespmem:$0x19A80] =	vst v63  }
0x13: {  	_ =	swait.ge [sflag:s9], $0x80  }
0x14: {  	[sflag:s9] =	ssyncset.done $0x0  }
0x15: {  	s16 =	simm.s32 $0x40;
	s17 =	simm.s32 $0x0;
	[sflag:s9] =	ssyncadd.s32 $0xFFFFFF80  }
.LBB2_2:
0x16: {  	p0 =	sne.s32 s16, $0x30D00;
	[tilespmem:s17+$0x1380] =	vst v1;
	s18 =	smov.u32 s16;
	s16 =	sadd.s32 $0x40, s16  }
.Ltmp0:
0x17: {  	[tilespmem:s17+$0xD700] =	vst v1;
	(pc) =	sbr.rel @p0 .LBB2_2-.Ltmp0, $2  }
0x18: {  	_ =	sdelay $0x2  }
0x19: {  	s17 =	sshra.s32 s18, $0x2  }
0x1a: {  	[tilespmem:s17+$0x1380] =	vst v1  }
0x1b: {  	[tilespmem:s17+$0xD700] =	vst v1  }
0x1c: {  	v5 =	vld [tilespmem:$0x0];
	_ =	sdelay $0x4  }
0x1d: {  	v6 =	vld [tilespmem:$0x1300];
	v5 =	vadd.s32 v0, v5;
	_ =	sdelay $0x4  }
0x1e: {  	[tilespmem:v5+s11+$0x0] =	vst.idx.msk $0xffff, v6  }
0x1f: {  	v5 =	vld [tilespmem:$0x10];
	_ =	sdelay $0x4  }
0x20: {  	v5 =	vadd.s32 v2, v5;
	_ =	sdelay $0x4  }
0x21: {  	[tilespmem:v5+s11+$0x0] =	vst.idx.msk $0xffff, v6  }
0x22: {  	v5 =	vld [tilespmem:$0x20];
	_ =	sdelay $0x4  }
0x23: {  	v5 =	vadd.s32 v3, v5;
	_ =	sdelay $0x4  }
0x24: {  	[tilespmem:v5+s11+$0x0] =	vst.idx.msk $0xffff, v6  }
0x25: {  	v5 =	vld [tilespmem:$0x30];
	_ =	sdelay $0x4  }
0x26: {  	v5 =	vadd.s32 v4, v5;
	_ =	sdelay $0x4  }
0x27: {  	[tilespmem:v5+s11+$0x0] =	vst.idx.msk $0x3, v6  }
0x28: {  	v5 =	vld [tilespmem:$0x32];
	_ =	sdelay $0x4  }
0x29: {  	v6 =	vld [tilespmem:$0x1310];
	v5 =	vadd.s32 v0, v5;
	_ =	sdelay $0x4  }
0x2a: {  	[tilespmem:v5+s11+$0x0] =	vst.idx.msk $0xffff, v6  }
0x2b: {  	v5 =	vld [tilespmem:$0x42];
	_ =	sdelay $0x4  }
0x2c: {  	v5 =	vadd.s32 v2, v5;
	_ =	sdelay $0x4  }
0x2d: {  	[tilespmem:v5+s11+$0x0] =	vst.idx.msk $0xffff, v6  }
0x2e: {  	v5 =	vld [tilespmem:$0x52];
	_ =	sdelay $0x4  }
0x2f: {  	v5 =	vadd.s32 v3, v5;
	_ =	sdelay $0x4  }
0x30: {  	[tilespmem:v5+s11+$0x0] =	vst.idx.msk $0xffff, v6  }
0x31: {  	v5 =	vld [tilespmem:$0x62];
	_ =	sdelay $0x4  }
0x32: {  	v5 =	vadd.s32 v4, v5;
	_ =	sdelay $0x4  }
0x33: {  	[tilespmem:v5+s11+$0x0] =	vst.idx.msk $0x3, v6  }
0x34: {  	v5 =	vld [tilespmem:$0x64];
	_ =	sdelay $0x4  }
0x35: {  	v6 =	vld [tilespmem:$0x1320];
	v5 =	vadd.s32 v0, v5;
	_ =	sdelay $0x4  }
0x36: {  	[tilespmem:v5+s11+$0x0] =	vst.idx.msk $0xffff, v6  }
0x37: {  	v5 =	vld [tilespmem:$0x74];
	_ =	sdelay $0x4  }
0x38: {  	v5 =	vadd.s32 v2, v5;
	_ =	sdelay $0x4  }
0x39: {  	[tilespmem:v5+s11+$0x0] =	vst.idx.msk $0xffff, v6  }
0x3a: {  	v5 =	vld [tilespmem:$0x84];
	_ =	sdelay $0x4  }
0x3b: {  	v5 =	vadd.s32 v3, v5;
	_ =	sdelay $0x4  }
0x3c: {  	[tilespmem:v5+s11+$0x0] =	vst.idx.msk $0xffff, v6  }
0x3d: {  	v5 =	vld [tilespmem:$0x94];
	_ =	sdelay $0x4  }
0x3e: {  	v5 =	vadd.s32 v4, v5;
	_ =	sdelay $0x4  }
0x3f: {  	[tilespmem:v5+s11+$0x0] =	vst.idx.msk $0x3, v6  }
0x40: {  	[hbm4b:s5+s2] =	stream.linear.scatter [tilespmem:s11], [sflag:$0x1], $0xC350, $0x38;
	[tilespmem:$0x19A80] =	vst v63  }
0x41: {  	v5 =	vld [tilespmem:$0x96];
	_ =	sdelay $0x4  }
0x42: {  	v6 =	vld [tilespmem:$0x1300];
	v5 =	vadd.s32 v0, v5;
	_ =	sdelay $0x4  }
0x43: {  	[tilespmem:v5+s12+$0x0] =	vst.idx.msk $0xffff, v6  }
0x44: {  	v5 =	vld [tilespmem:$0xA6];
	_ =	sdelay $0x4  }
0x45: {  	v5 =	vadd.s32 v2, v5;
	_ =	sdelay $0x4  }
0x46: {  	[tilespmem:v5+s12+$0x0] =	vst.idx.msk $0xffff, v6  }
0x47: {  	v5 =	vld [tilespmem:$0xB6];
	_ =	sdelay $0x4  }
0x48: {  	v5 =	vadd.s32 v3, v5;
	_ =	sdelay $0x4  }
0x49: {  	[tilespmem:v5+s12+$0x0] =	vst.idx.msk $0xffff, v6  }
0x4a: {  	v5 =	vld [tilespmem:$0xC6];
	_ =	sdelay $0x4  }
0x4b: {  	v5 =	vadd.s32 v4, v5;
	_ =	sdelay $0x4  }
0x4c: {  	[tilespmem:v5+s12+$0x0] =	vst.idx.msk $0x3, v6  }
0x4d: {  	v5 =	vld [tilespmem:$0xC8];
	_ =	sdelay $0x4  }
0x4e: {  	v6 =	vld [tilespmem:$0x1310];
	v5 =	vadd.s32 v0, v5;
	_ =	sdelay $0x4  }
0x4f: {  	[tilespmem:v5+s12+$0x0] =	vst.idx.msk $0xffff, v6  }
0x50: {  	v5 =	vld [tilespmem:$0xD8];
	_ =	sdelay $0x4  }
0x51: {  	v5 =	vadd.s32 v2, v5;
	_ =	sdelay $0x4  }
0x52: {  	[tilespmem:v5+s12+$0x0] =	vst.idx.msk $0xffff, v6  }
0x53: {  	v5 =	vld [tilespmem:$0xE8];
	_ =	sdelay $0x4  }
0x54: {  	v5 =	vadd.s32 v3, v5;
	_ =	sdelay $0x4  }
0x55: {  	[tilespmem:v5+s12+$0x0] =	vst.idx.msk $0xffff, v6  }
0x56: {  	v5 =	vld [tilespmem:$0xF8];
	_ =	sdelay $0x4  }
0x57: {  	v5 =	vadd.s32 v4, v5;
	_ =	sdelay $0x4  }
0x58: {  	[tilespmem:v5+s12+$0x0] =	vst.idx.msk $0x3, v6  }
0x59: {  	v5 =	vld [tilespmem:$0xFA];
	_ =	sdelay $0x4  }
0x5a: {  	v6 =	vld [tilespmem:$0x1320];
	v5 =	vadd.s32 v0, v5;
	_ =	sdelay $0x4  }
0x5b: {  	[tilespmem:v5+s12+$0x0] =	vst.idx.msk $0xffff, v6  }
0x5c: {  	v5 =	vld [tilespmem:$0x10A];
	_ =	sdelay $0x4  }
0x5d: {  	v5 =	vadd.s32 v2, v5;
	_ =	sdelay $0x4  }
0x5e: {  	[tilespmem:v5+s12+$0x0] =	vst.idx.msk $0xffff, v6  }
0x5f: {  	v5 =	vld [tilespmem:$0x11A];
	_ =	sdelay $0x4  }
0x60: {  	v5 =	vadd.s32 v3, v5;
	_ =	sdelay $0x4  }
0x61: {  	[tilespmem:v5+s12+$0x0] =	vst.idx.msk $0xffff, v6  }
0x62: {  	v5 =	vld [tilespmem:$0x12A];
	_ =	sdelay $0x4  }
0x63: {  	v5 =	vadd.s32 v4, v5;
	_ =	sdelay $0x4  }
0x64: {  	s16 =	simm.s32 $0xFFFD2394;
	s17 =	simm.s32 $0x12C;
	[tilespmem:v5+s12+$0x0] =	vst.idx.msk $0x3, v6  }
0x65: {  	[hbm4b:s6+s2] =	stream.linear.scatter [tilespmem:s12], [sflag:$0x2], $0xC350, $0x38;
	[tilespmem:$0x19A80] =	vst v63  }
.LBB2_4:
0x66: {  	_ =	swait.ge [sflag:s13], $0xC350  }
0x67: {  	[sflag:s13] =	ssyncset.done $0x0  }
0x68: {  	[sflag:s13] =	ssyncadd.s32 $0xFFFF3CB0  }
0x69: {  	v5 =	vld [tilespmem:s17+$0xFFFFFED4];
	_ =	sdelay $0x4  }
0x6a: {  	v5 =	vadd.s32 v0, v5;
	_ =	sdelay $0x4  }
0x6b: {  	[tilespmem:v5+s11+$0x0] =	vst.idx.msk $0xffff, v1  }
0x6c: {  	v5 =	vld [tilespmem:s17+$0xFFFFFEE4];
	_ =	sdelay $0x4  }
0x6d: {  	v5 =	vadd.s32 v2, v5;
	_ =	sdelay $0x4  }
0x6e: {  	[tilespmem:v5+s11+$0x0] =	vst.idx.msk $0xffff, v1  }
0x6f: {  	v5 =	vld [tilespmem:s17+$0xFFFFFEF4];
	_ =	sdelay $0x4  }
0x70: {  	v5 =	vadd.s32 v3, v5;
	_ =	sdelay $0x4  }
0x71: {  	[tilespmem:v5+s11+$0x0] =	vst.idx.msk $0xffff, v1  }
0x72: {  	v5 =	vld [tilespmem:s17+$0xFFFFFF04];
	_ =	sdelay $0x4  }
0x73: {  	v5 =	vadd.s32 v4, v5;
	_ =	sdelay $0x4  }
0x74: {  	[tilespmem:v5+s11+$0x0] =	vst.idx.msk $0x3, v1  }
0x75: {  	v5 =	vld [tilespmem:s17+$0xFFFFFF06];
	_ =	sdelay $0x4  }
0x76: {  	v5 =	vadd.s32 v0, v5;
	_ =	sdelay $0x4  }
0x77: {  	[tilespmem:v5+s11+$0x0] =	vst.idx.msk $0xffff, v1  }
0x78: {  	v5 =	vld [tilespmem:s17+$0xFFFFFF16];
	_ =	sdelay $0x4  }
0x79: {  	v5 =	vadd.s32 v2, v5;
	_ =	sdelay $0x4  }
0x7a: {  	[tilespmem:v5+s11+$0x0] =	vst.idx.msk $0xffff, v1  }
0x7b: {  	v5 =	vld [tilespmem:s17+$0xFFFFFF26];
	_ =	sdelay $0x4  }
0x7c: {  	v5 =	vadd.s32 v3, v5;
	_ =	sdelay $0x4  }
0x7d: {  	[tilespmem:v5+s11+$0x0] =	vst.idx.msk $0xffff, v1  }
0x7e: {  	v5 =	vld [tilespmem:s17+$0xFFFFFF36];
	_ =	sdelay $0x4  }
0x7f: {  	v5 =	vadd.s32 v4, v5;
	_ =	sdelay $0x4  }
0x80: {  	[tilespmem:v5+s11+$0x0] =	vst.idx.msk $0x3, v1  }
0x81: {  	v5 =	vld [tilespmem:s17+$0xFFFFFF38];
	_ =	sdelay $0x4  }
0x82: {  	v5 =	vadd.s32 v0, v5;
	_ =	sdelay $0x4  }
0x83: {  	[tilespmem:v5+s11+$0x0] =	vst.idx.msk $0xffff, v1  }
0x84: {  	v5 =	vld [tilespmem:s17+$0xFFFFFF48];
	_ =	sdelay $0x4  }
0x85: {  	v5 =	vadd.s32 v2, v5;
	_ =	sdelay $0x4  }
0x86: {  	[tilespmem:v5+s11+$0x0] =	vst.idx.msk $0xffff, v1  }
0x87: {  	v5 =	vld [tilespmem:s17+$0xFFFFFF58];
	_ =	sdelay $0x4  }
0x88: {  	v5 =	vadd.s32 v3, v5;
	_ =	sdelay $0x4  }
0x89: {  	[tilespmem:v5+s11+$0x0] =	vst.idx.msk $0xffff, v1  }
0x8a: {  	v5 =	vld [tilespmem:s17+$0xFFFFFF68];
	_ =	sdelay $0x4  }
0x8b: {  	v5 =	vadd.s32 v4, v5;
	_ =	sdelay $0x4  }
0x8c: {  	[tilespmem:v5+s11+$0x0] =	vst.idx.msk $0x3, v1  }
0x8d: {  	v5 =	vld [tilespmem:s17+$0x0];
	_ =	sdelay $0x4  }
0x8e: {  	v6 =	vld [tilespmem:$0x1300];
	v5 =	vadd.s32 v0, v5;
	_ =	sdelay $0x4  }
0x8f: {  	[tilespmem:v5+s11+$0x0] =	vst.idx.msk $0xffff, v6  }
0x90: {  	v5 =	vld [tilespmem:s17+$0x10];
	_ =	sdelay $0x4  }
0x91: {  	v5 =	vadd.s32 v2, v5;
	_ =	sdelay $0x4  }
0x92: {  	[tilespmem:v5+s11+$0x0] =	vst.idx.msk $0xffff, v6  }
0x93: {  	v5 =	vld [tilespmem:s17+$0x20];
	_ =	sdelay $0x4  }
0x94: {  	v5 =	vadd.s32 v3, v5;
	_ =	sdelay $0x4  }
0x95: {  	[tilespmem:v5+s11+$0x0] =	vst.idx.msk $0xffff, v6  }
0x96: {  	v5 =	vld [tilespmem:s17+$0x30];
	_ =	sdelay $0x4  }
0x97: {  	v5 =	vadd.s32 v4, v5;
	_ =	sdelay $0x4  }
0x98: {  	[tilespmem:v5+s11+$0x0] =	vst.idx.msk $0x3, v6  }
0x99: {  	v5 =	vld [tilespmem:s17+$0x32];
	_ =	sdelay $0x4  }
0x9a: {  	v6 =	vld [tilespmem:$0x1310];
	v5 =	vadd.s32 v0, v5;
	_ =	sdelay $0x4  }
0x9b: {  	[tilespmem:v5+s11+$0x0] =	vst.idx.msk $0xffff, v6  }
0x9c: {  	v5 =	vld [tilespmem:s17+$0x42];
	_ =	sdelay $0x4  }
0x9d: {  	v5 =	vadd.s32 v2, v5;
	_ =	sdelay $0x4  }
0x9e: {  	[tilespmem:v5+s11+$0x0] =	vst.idx.msk $0xffff, v6  }
0x9f: {  	v5 =	vld [tilespmem:s17+$0x52];
	_ =	sdelay $0x4  }
0xa0: {  	v5 =	vadd.s32 v3, v5;
	_ =	sdelay $0x4  }
0xa1: {  	[tilespmem:v5+s11+$0x0] =	vst.idx.msk $0xffff, v6  }
0xa2: {  	v5 =	vld [tilespmem:s17+$0x62];
	_ =	sdelay $0x4  }
0xa3: {  	v5 =	vadd.s32 v4, v5;
	_ =	sdelay $0x4  }
0xa4: {  	[tilespmem:v5+s11+$0x0] =	vst.idx.msk $0x3, v6  }
0xa5: {  	v5 =	vld [tilespmem:s17+$0x64];
	_ =	sdelay $0x4  }
0xa6: {  	v6 =	vld [tilespmem:$0x1320];
	v5 =	vadd.s32 v0, v5;
	_ =	sdelay $0x4  }
0xa7: {  	[tilespmem:v5+s11+$0x0] =	vst.idx.msk $0xffff, v6  }
0xa8: {  	v5 =	vld [tilespmem:s17+$0x74];
	_ =	sdelay $0x4  }
0xa9: {  	v5 =	vadd.s32 v2, v5;
	_ =	sdelay $0x4  }
0xaa: {  	[tilespmem:v5+s11+$0x0] =	vst.idx.msk $0xffff, v6  }
0xab: {  	v5 =	vld [tilespmem:s17+$0x84];
	_ =	sdelay $0x4  }
0xac: {  	v5 =	vadd.s32 v3, v5;
	_ =	sdelay $0x4  }
0xad: {  	[tilespmem:v5+s11+$0x0] =	vst.idx.msk $0xffff, v6  }
0xae: {  	v5 =	vld [tilespmem:s17+$0x94];
	_ =	sdelay $0x4  }
0xaf: {  	v5 =	vadd.s32 v4, v5;
	_ =	sdelay $0x3  }
0xb0: {  	s18 =	sadd.s32 s16, s8  }
0xb1: {  	s19 =	sadd.s32 $0x30D40, s18;
	[tilespmem:v5+s11+$0x0] =	vst.idx.msk $0x3, v6  }
0xb2: {  	[hbm4b:s19+s2] =	stream.linear.scatter [tilespmem:s11], [sflag:$0x1], $0xC350, $0x38;
	[tilespmem:$0x19A80] =	vst v63  }
0xb3: {  	_ =	swait.ge [sflag:s14], $0xC350  }
0xb4: {  	[sflag:s14] =	ssyncset.done $0x0  }
0xb5: {  	[sflag:s14] =	ssyncadd.s32 $0xFFFF3CB0  }
0xb6: {  	v5 =	vld [tilespmem:s17+$0xFFFFFF6A];
	_ =	sdelay $0x4  }
0xb7: {  	v5 =	vadd.s32 v0, v5;
	_ =	sdelay $0x4  }
0xb8: {  	[tilespmem:v5+s12+$0x0] =	vst.idx.msk $0xffff, v1  }
0xb9: {  	v5 =	vld [tilespmem:s17+$0xFFFFFF7A];
	_ =	sdelay $0x4  }
0xba: {  	v5 =	vadd.s32 v2, v5;
	_ =	sdelay $0x4  }
0xbb: {  	[tilespmem:v5+s12+$0x0] =	vst.idx.msk $0xffff, v1  }
0xbc: {  	v5 =	vld [tilespmem:s17+$0xFFFFFF8A];
	_ =	sdelay $0x4  }
0xbd: {  	v5 =	vadd.s32 v3, v5;
	_ =	sdelay $0x4  }
0xbe: {  	[tilespmem:v5+s12+$0x0] =	vst.idx.msk $0xffff, v1  }
0xbf: {  	v5 =	vld [tilespmem:s17+$0xFFFFFF9A];
	_ =	sdelay $0x4  }
0xc0: {  	v5 =	vadd.s32 v4, v5;
	_ =	sdelay $0x4  }
0xc1: {  	[tilespmem:v5+s12+$0x0] =	vst.idx.msk $0x3, v1  }
0xc2: {  	v5 =	vld [tilespmem:s17+$0xFFFFFF9C];
	_ =	sdelay $0x4  }
0xc3: {  	v5 =	vadd.s32 v0, v5;
	_ =	sdelay $0x4  }
0xc4: {  	[tilespmem:v5+s12+$0x0] =	vst.idx.msk $0xffff, v1  }
0xc5: {  	v5 =	vld [tilespmem:s17+$0xFFFFFFAC];
	_ =	sdelay $0x4  }
0xc6: {  	v5 =	vadd.s32 v2, v5;
	_ =	sdelay $0x4  }
0xc7: {  	[tilespmem:v5+s12+$0x0] =	vst.idx.msk $0xffff, v1  }
0xc8: {  	v5 =	vld [tilespmem:s17+$0xFFFFFFBC];
	_ =	sdelay $0x4  }
0xc9: {  	v5 =	vadd.s32 v3, v5;
	_ =	sdelay $0x4  }
0xca: {  	[tilespmem:v5+s12+$0x0] =	vst.idx.msk $0xffff, v1  }
0xcb: {  	v5 =	vld [tilespmem:s17+$0xFFFFFFCC];
	_ =	sdelay $0x4  }
0xcc: {  	v5 =	vadd.s32 v4, v5;
	_ =	sdelay $0x4  }
0xcd: {  	[tilespmem:v5+s12+$0x0] =	vst.idx.msk $0x3, v1  }
0xce: {  	v5 =	vld [tilespmem:s17+$0xFFFFFFCE];
	_ =	sdelay $0x4  }
0xcf: {  	v5 =	vadd.s32 v0, v5;
	_ =	sdelay $0x4  }
0xd0: {  	[tilespmem:v5+s12+$0x0] =	vst.idx.msk $0xffff, v1  }
0xd1: {  	v5 =	vld [tilespmem:s17+$0xFFFFFFDE];
	_ =	sdelay $0x4  }
0xd2: {  	v5 =	vadd.s32 v2, v5;
	_ =	sdelay $0x4  }
0xd3: {  	[tilespmem:v5+s12+$0x0] =	vst.idx.msk $0xffff, v1  }
0xd4: {  	v5 =	vld [tilespmem:s17+$0xFFFFFFEE];
	_ =	sdelay $0x4  }
0xd5: {  	v5 =	vadd.s32 v3, v5;
	_ =	sdelay $0x4  }
0xd6: {  	[tilespmem:v5+s12+$0x0] =	vst.idx.msk $0xffff, v1  }
0xd7: {  	v5 =	vld [tilespmem:s17+$0xFFFFFFFE];
	_ =	sdelay $0x4  }
0xd8: {  	v5 =	vadd.s32 v4, v5;
	_ =	sdelay $0x4  }
0xd9: {  	[tilespmem:v5+s12+$0x0] =	vst.idx.msk $0x3, v1  }
0xda: {  	v5 =	vld [tilespmem:s17+$0x96];
	_ =	sdelay $0x4  }
0xdb: {  	v6 =	vld [tilespmem:$0x1300];
	v5 =	vadd.s32 v0, v5;
	_ =	sdelay $0x4  }
0xdc: {  	[tilespmem:v5+s12+$0x0] =	vst.idx.msk $0xffff, v6  }
0xdd: {  	v5 =	vld [tilespmem:s17+$0xA6];
	_ =	sdelay $0x4  }
0xde: {  	v5 =	vadd.s32 v2, v5;
	_ =	sdelay $0x4  }
0xdf: {  	[tilespmem:v5+s12+$0x0] =	vst.idx.msk $0xffff, v6  }
0xe0: {  	v5 =	vld [tilespmem:s17+$0xB6];
	_ =	sdelay $0x4  }
0xe1: {  	v5 =	vadd.s32 v3, v5;
	_ =	sdelay $0x4  }
0xe2: {  	[tilespmem:v5+s12+$0x0] =	vst.idx.msk $0xffff, v6  }
0xe3: {  	v5 =	vld [tilespmem:s17+$0xC6];
	_ =	sdelay $0x4  }
0xe4: {  	v5 =	vadd.s32 v4, v5;
	_ =	sdelay $0x4  }
0xe5: {  	[tilespmem:v5+s12+$0x0] =	vst.idx.msk $0x3, v6  }
0xe6: {  	v5 =	vld [tilespmem:s17+$0xC8];
	_ =	sdelay $0x4  }
0xe7: {  	v6 =	vld [tilespmem:$0x1310];
	v5 =	vadd.s32 v0, v5;
	_ =	sdelay $0x4  }
0xe8: {  	[tilespmem:v5+s12+$0x0] =	vst.idx.msk $0xffff, v6  }
0xe9: {  	v5 =	vld [tilespmem:s17+$0xD8];
	_ =	sdelay $0x4  }
0xea: {  	v5 =	vadd.s32 v2, v5;
	_ =	sdelay $0x4  }
0xeb: {  	[tilespmem:v5+s12+$0x0] =	vst.idx.msk $0xffff, v6  }
0xec: {  	v5 =	vld [tilespmem:s17+$0xE8];
	_ =	sdelay $0x4  }
0xed: {  	v5 =	vadd.s32 v3, v5;
	_ =	sdelay $0x4  }
0xee: {  	[tilespmem:v5+s12+$0x0] =	vst.idx.msk $0xffff, v6  }
0xef: {  	v5 =	vld [tilespmem:s17+$0xF8];
	_ =	sdelay $0x4  }
0xf0: {  	v5 =	vadd.s32 v4, v5;
	_ =	sdelay $0x4  }
0xf1: {  	[tilespmem:v5+s12+$0x0] =	vst.idx.msk $0x3, v6  }
0xf2: {  	v5 =	vld [tilespmem:s17+$0xFA];
	_ =	sdelay $0x4  }
0xf3: {  	v6 =	vld [tilespmem:$0x1320];
	v5 =	vadd.s32 v0, v5;
	_ =	sdelay $0x4  }
0xf4: {  	[tilespmem:v5+s12+$0x0] =	vst.idx.msk $0xffff, v6  }
0xf5: {  	v5 =	vld [tilespmem:s17+$0x10A];
	_ =	sdelay $0x4  }
0xf6: {  	v5 =	vadd.s32 v2, v5;
	_ =	sdelay $0x4  }
0xf7: {  	[tilespmem:v5+s12+$0x0] =	vst.idx.msk $0xffff, v6  }
0xf8: {  	v5 =	vld [tilespmem:s17+$0x11A];
	_ =	sdelay $0x4  }
0xf9: {  	v5 =	vadd.s32 v3, v5;
	_ =	sdelay $0x4  }
0xfa: {  	[tilespmem:v5+s12+$0x0] =	vst.idx.msk $0xffff, v6  }
0xfb: {  	v5 =	vld [tilespmem:s17+$0x12A];
	_ =	sdelay $0x4  }
0xfc: {  	v5 =	vadd.s32 v4, v5  }
0xfd: {  	p0 =	sne.s32 s16, $0xFFFFCF2C  }
.Ltmp1:
0xfe: {  	_ = 	snop;
	(pc) =	sbr.rel @p0 .LBB2_4-.Ltmp1, $3  }
0xff: {  	_ =	sdelay $0x1  }
0x100: {  	s16 =	sadd.s32 $0x30D4, s16;
	s18 =	sadd.s32 $0x325AA, s18;
	s17 =	sadd.s32 $0x12C, s17;
	[tilespmem:v5+s12+$0x0] =	vst.idx.msk $0x3, v6  }
0x101: {  	[hbm4b:s18+s2] =	stream.linear.scatter [tilespmem:s12], [sflag:$0x2], $0xC350, $0x38;
	[tilespmem:$0x19A80] =	vst v63  }
0x102: {  	s15 =	sadd.s32 $0x1, s15  }
0x103: {  	_ =	swait.ge [sflag:s13], $0xC350;
	p0 =	sne.s32 s15, s7  }
.Ltmp2:
0x104: {  	[sflag:s13] =	ssyncset.done $0x0;
	(pc) =	sbr.rel @p0 .LBB2_1-.Ltmp2, $4  }
0x105: {  	[sflag:s13] =	ssyncadd.s32 $0xFFFF3CB0  }
0x106: {  	_ =	swait.ge [sflag:s14], $0xC350  }
0x107: {  	[sflag:s14] =	ssyncset.done $0x0  }
0x108: {  	[sflag:s14] =	ssyncadd.s32 $0xFFFF3CB0  }
0x109: {  	_ =	sfence.sel $0x180000  }
0x10a: {  	[bflag:$0x0] =	sbarrier.arrive $0xFFFF  }
0x10b: {  	p0 =	sne.s32 s0, $0x0;
	_ =	strace $0x90000047  }
0x10c: {  	s0 =	sadd.s32 @!p0 $0x100000, s1;
	[bflag:$0x2] =	sbarrier.arrive $0xFFFF  }
0x10d: {  	[sflag:s0] =	ssyncadd.tile.s32 @!p0 $0x1;
	_ =	shalt  }
.Lfunc_end2:
_tile_overlayer_lowered:
.L_overlay_start_2:
0x10e: {  	(tag) =	ssettag $0x2  }
0x10f: {  	s0 =	rddreg [dreg:$0x0];
	s2 =	stileid.u32  }
0x110: {  	s1 =	rddreg [dreg:$0x1];
	p0 =	sne.s32 s2, $0x0  }
0x111: {  	s3 =	rddreg [dreg:$0x2];
	[bflag:$0x3] =	sbarrier.arrive $0xFFFF;
	s2 =	simm.s32 @!p0 $0x1C03  }
0x112: {  	[timem:s3], [sflag:s2] =	dma.local @!p0 [hbm:s0], s1  }
0x113: {  	s0 =	simm.s32 @!p0 $0x3  }
0x114: {  	_ =	swait.ge @!p0 [sflag:s0], s1  }
0x115: {  	s1 =	ssub.s32 @!p0 $0x0, s1;
	[sflag:s0] =	ssyncset.done @!p0 $0x0  }
0x116: {  	[sflag:s0] =	ssyncadd.s32 @!p0 s1  }
0x117: {  	[bflag:$0x3] =	sbarrier.arrive $0xFFFF  }
0x118: {  	_ =	shalt  }

// kernel: sparse-core-data-format-call.cloned.1.call-start
scs
called_computation_lowered:
.L_overlay_start_0:
0x0: {  	s2 =	sld [smem:$0x3FD9]  }
0x1: {  	s3 =	sld [smem:$0x3FFE];
	_ =	sdelay $0x1  }
0x2: {  	s1 =	srdreg.scid  }
0x3: {  	s0 =	sand.u32 $0x1, s1  }
0x4: {  	s18 =	sshll.u32 s0, $0xA;
	s2 =	sadd.s32 s3, s2  }
0x5: {  	s2 =	sadd.s32 s2, s18  }
0x6: {  	[smem:$0x3FC6] =	sst s2  }
0x7: {  	_ = 	snop  }
0x8: {  	s2 =	sld [smem:$0x3FD0];
	(tm) =	ssettm $0x1  }
0x9: {  	s19 =	sld [smem:$0x3FFB];
	_ =	sdelay $0x3  }
0xa: {  	_ =	strace s19  }
0xb: {  	s3 =	sld [smem:$0x3FFC];
	_ =	sdelay $0x3  }
0xc: {  	_ =	strace s3  }
0xd: {  	s3 =	sld [smem:$0x3FFD];
	_ =	sdelay $0x3  }
0xe: {  	_ =	strace s3  }
0xf: {  	_ =	strace $0x8FFFFFFF  }
0x10: {  	s20 =	sld [smem:$0x3FDB];
	_ =	sdelay $0x1  }
0x11: {  	s4 =	simm.s32 $_scs_section_size  }
0x12: {  	s5 =	simm.s32 $_size__tile_overlayer_lowered;
	s6 =	simm.s32 $_tile_overlayer_lowered  }
0x13: {  	s23 =	simm.s32 $0x1BFF;
	s22 =	sshll.u32 s6, $0x1;
	s3 =	sadd.s32 s4, s20  }
0x14: {  	s7 =	simm.s32 $0x0;
	s21 =	sshll.u32 s5, $0x1;
	s5 =	sadd.s32 s22, s3  }
0x15: {  	[timem:s7], [sflag:s23] =	dma.local [hbm:s5], s21  }
0x16: {  	_ =	swait.ge [sflag:s23], s21  }
0x17: {  	s4 =	ssub.s32 $0x0, s21;
	[sflag:s23] =	ssyncset.done $0x0  }
0x18: {  	[sflag:s23] =	ssyncadd.s32 s4;
	_ =	sdelay $0x1  }
0x19: {  	s24 =	simm.s32 $0x1B8B  }
0x1a: {  	_ =	swait.ge [sflag:s24], $0x1  }
0x1b: {  	[sflag:s24] =	ssyncset.done $0x0  }
0x1c: {  	s26 =	simm.s32 $0x1B8E;
	s25 =	sld [smem:$0x3FFE];
	[sflag:s24] =	ssyncadd.s32 $0xFFFFFFFF  }
0x1d: {  	s27 =	simm.s32 $execute0_lowered;
	[smem:$0x3FD2] =	sst s26  }
0x1e: {  	s5 =	sshll.u32 s27, $0x1;
	_ =	strace $0x80000049;
	[dreg:$0x1] =	wrdreg $0xFFFFFFFF  }
0x1f: {  	s28 =	simm.s32 $_size_execute0_lowered;
	s3 =	sadd.s32 s3, s5;
	[dreg:$0x0] =	wrdreg $0x0  }
0x20: {  	s5 =	sshll.u32 s28, $0x1;
	[dreg:$0x2] =	wrdreg s3  }
0x21: {  	[dreg:$0x3] =	wrdreg s5  }
0x22: {  	[dreg:$0x4] =	wrdreg $0xC0  }
0x23: {  	_ =	task [dreg:s7], $0x5FFFF  }
0x24: {  	[dreg:$0x1] =	wrdreg $0xFFFFFFFF  }
0x25: {  	[dreg:$0x0] =	wrdreg $0x60  }
0x26: {  	[dreg:$0x2] =	wrdreg s25  }
0x27: {  	[dreg:$0x3] =	wrdreg s2  }
0x28: {  	[dreg:$0x4] =	wrdreg $0x9  }
0x29: {  	_ =	task.clear_ibuf [dreg:s7], $0x5FFFF;
	_ =	strace $0x90000049  }
0x2a: {  	s29 =	simm.s32 $0x9;
	_ =	strace $0x8000004B  }
0x2b: {  	_ =	swait.ge [sflag:s29], $0x1  }
0x2c: {  	[sflag:s29] =	ssyncadd.s32 $0xFFFFFFFF  }
0x2d: {  	_ =	strace $0x9000004B  }
0x2e: {  	_ =	sfence  }
0x2f: {  	s30 =	sld [smem:$0x0];
	_ =	sdelay $0x2  }
0x30: {  	s31 =	sshll.u32 s1, $0xD;
	s1 =	sshrl.u32 s1, $0x2  }
0x31: {  	s3 =	sand.u32 $0x4000, s31;
	s1 =	sadd.s32 s1, s30  }
0x32: {  	s0 =	sor.u32 s3, s0;
	s1 =	sshll.u32 s1, $0x11  }
0x33: {  	s0 =	sor.u32 s1, s0  }
0x34: {  	s0 =	sadd.s32 $0x8F2B, s0  }
0x35: {  	[sflag:s0] =	ssyncadd.remote.s32 $0x1  }
0x36: {  	_ =	sfence.sel $0xFFFF  }
0x37: {  	[dreg:$0x0] =	wrdreg $0xFFFFFFFF;
	(pc) =	sbr.abs _section_cstart, $3  }
0x38: {  	[dreg:$0x1] =	wrdreg $0xFFFFFFFF  }
0x39: {  	_ =	task.clear_ibuf [dreg:s7], $0x2FFFF;
	_ =	strace $0x9FFFFFFF  }
0x3a: {  	(tm) =	ssettm $0x7FFFFFFF  }
0x3b: {  	_ =	shalt  }
tec
execute0_lowered:
.L_overlay_start_1:
0x0: {  	(tag) =	ssettag $0x1  }
0x1: {  	s4 =	rddreg [dreg:$0x0]  }
0x2: {  	s0 =	stileid.u32;
	s2 =	rddreg [dreg:$0x1]  }
0x3: {  	s7 =	srdreg.scid;
	s31 =	simm.s32 $0x2;
	s17 =	simm.s32 $0x0  }
0x4: {  	s9 =	simm.s32 $0x2000;
	s19 =	simm.s32 $0x0;
	s18 =	simm.s32 $0x0  }
0x5: {  	s10 =	simm.s32 $0x0;
	s11 =	simm.s32 $0x0;
	s1 =	sshll.u32 s0, $0x7  }
0x6: {  	s12 =	simm.s32 $0x0;
	s14 =	simm.s32 $0x0;
	s3 =	sand.u32 $0x380, s1  }
0x7: {  	s16 =	simm.s32 $0x0;
	s4 =	sadd.s32 $0x800, s4;
	s5 =	ssub.s32 $0x400, s3  }
0x8: {  	s8 =	sshll.u32 s0, $0x4;
	s7 =	sshll.u32 s7, $0x8;
	s6 =	sand.u32 $0x380, s5  }
0x9: {  	s1 =	rddreg [dreg:$0x2];
	p0 =	sne.s32 s6, $0x0;
	s6 =	simm.s32 $0x1  }
.Ltmp0:
0xa: {  	s5 =	sshrl.u32 s5, $0xA;
	s6 =	simm.s32 @!p0 $0x0;
	(pc) =	sbr.rel .LBB1_1-.Ltmp0, $4  }
0xb: {  	_ =	strace $0x8000004A;
	s7 =	sor.u32 s8, s7;
	s6 =	sadd.s32 s6, s5  }
0xc: {  	s7 =	sand.u32 $0x180, s7;
	s5 =	simm.s32 $0x1;
	s6 =	smul.u32 $0x64, s6  }
0xd: {  	s15 =	smov.u32 s3;
	s13 =	smov.u32 s7;
	[sflag:s5] =	ssyncpa.u1 $0x0  }
0xe: {  	p0 =	por $0x0, $0x0;
	[sflag:s31] =	ssyncpa.u1 $0x0;
	s8 =	sor.u32 $0x1, s6  }
.LBB1_4:
0xf: {  	s25 =	sshll.u32 s10, $0xA;
	s24 =	sshra.s32 s24, $0x2;
	s26 =	sshll.u32 s12, $0x3  }
0x10: {  	p1 =	sgt.s32 s11, $0x31;
	s27 =	smov.u32 s11;
	s28 =	sshra.s32 s11, $0x1F  }
0x11: {  	p2 =	sgt.s32 s12, $0x380;
	s31 =	sshra.s32 s12, $0x1F;
	s25 =	sand.u32 $0xFFFFE000, s25  }
0x12: {  	s26 =	sand.u32 $0xFFFFFC00, s26;
	s27 =	simm.s32 @!p1 $0x31;
	s28 =	sand.u32 s28, s11  }
0x13: {  	[tilespmem:s22+$0x2040 ss:$0x81] =	vst.msk $0xffff, v4;
	s23 =	sadd.s32 s24, s23;
	s29 =	sadd.s32 s26, s25;
	s25 =	ssub.s32 s27, s28  }
0x14: {  	[tilespmem:s22+$0x2850 ss:$0x81] =	vst.msk $0xffff, v3;
	s27 =	smov.u32 s12;
	s28 =	smov.u32 s10;
	s26 =	sand.u32 s31, s12  }
0x15: {  	[tilespmem:s22+$0x3060 ss:$0x81] =	vst.msk $0xffff, v2;
	s24 =	sshrl.u32 s29, $0xA;
	s30 =	sadd.s32 $0xFFFFFFCF, s25;
	s27 =	simm.s32 @!p2 $0x380  }
0x16: {  	v5 =	vld [tilespmem:s21+$0xFFFFFFD0];
	[tilespmem:s22+$0x0 ss:$0x81] =	vst.msk $0xffff, v1;
	p2 =	sgt.s32 s10, $0x368;
	s29 =	sshra.s32 s10, $0x1F;
	s22 =	ssub.s32 $0x32, s25  }
0x17: {  	v58 =	vld [tilespmem:s21+$0xFFFFFFE0];
	p1 =	sgt.s32 s30, $0x0;
	s28 =	simm.s32 @!p2 $0x368;
	s29 =	sand.u32 s29, s10  }
0x18: {  	v59 =	vld [tilespmem:s21+$0xFFFFFFF0];
	s26 =	ssub.s32 s27, s26;
	s27 =	smulhi.u32 $0x418938, s24;
	s28 =	ssub.s32 s28, s29  }
0x19: {  	v60 =	vld [tilespmem:s21+$0x0];
	s30 =	sadd.s32 $0xFFFFFC80, s26;
	s25 =	ssub.s32 $0x400, s26;
	s22 =	simm.s32 @p1 $0x0  }
0x1a: {  	v61 =	vld [tilespmem:s21+$0x10];
	[tilespmem:s23+$0x3870 ss:$0x81] =	vst.msk $0xffff, v0;
	s29 =	sand.u32 $0x78, s12;
	p2 =	sgt.s32 s30, $0x7F;
	s31 =	sadd.s32 $0xFFFFFC98, s28  }
0x1b: {  	v62 =	vld [tilespmem:s21+$0x20];
	[tilespmem:s23+$0x810 ss:$0x81] =	vst.msk $0xffff, v5;
	s27 =	smul.u32 $0x3E8, s27;
	s30 =	sshll.u32 s10, $0x7;
	s28 =	ssub.s32 $0x3E8, s28  }
0x1c: {  	v63 =	vld [tilespmem:s21+$0xFFFFFFC0];
	[tilespmem:s23+$0x1020 ss:$0x81] =	vst.msk $0xffff, v58;
	s25 =	simm.s32 @p2 $0x0;
	p1 =	sgt.s32 s31, $0x7F;
	s31 =	smul.u32 $0x1F400, s11  }
0x1d: {  	[tilespmem:s23+$0x1830 ss:$0x81] =	vst.msk $0xffff, v59;
	s21 =	sand.u32 $0x380, s30;
	s22 =	smul.u32 s25, s22;
	s28 =	simm.s32 @p1 $0x0  }
0x1e: {  	[tilespmem:s23+$0x2040 ss:$0x81] =	vst.msk $0xffff, v60;
	s21 =	sor.u32 s29, s21;
	s24 =	ssub.s32 s24, s27;
	s29 =	sand.u32 $0x7, s12  }
0x1f: {  	[tilespmem:s23+$0x2850 ss:$0x81] =	vst.msk $0xffff, v61;
	s21 =	sshrl.u32 s21, $0x3;
	s25 =	sadd.s32 s2, s31;
	s22 =	smul.u32 s28, s22  }
0x20: {  	[tilespmem:s23+$0x3060 ss:$0x81] =	vst.msk $0xffff, v62;
	s24 =	sshll.u32 s24, $0x7;
	s30 =	sshll.u32 s29, $0x12;
	s21 =	sadd.s32 s21, s25  }
0x21: {  	[tilespmem:s23+$0x0 ss:$0x81] =	vst.msk $0xffff, v63;
	s31 =	sor.u32 $0x400, s30;
	s21 =	sadd.s32 s24, s21;
	s22 =	sand.u32 $0x3FFFFFFF, s22  }
0x22: {  	[hbm4b:s21+s31] =	stream.strided.scatter [tilespmem:s20], [sflag:$0x2], s22, s9, s31, $0x20;
	[tilespmem:$0x10100] =	vst v63  }
.LBB1_5:
0x23: {  	p1 =	slt.u32 s16, $0x2  }
0x24: {  	p2 =	sgt.s32 @!p1 s19, $0x31  }
0x25: {  	s20 =	smov.u32 s19;
	s21 =	sshra.s32 @!p1 s19, $0x1F;
	p2 =	por !p2, p1  }
0x26: {  	s19 =	sand.u32 @!p1 s21, s19;
	s20 =	simm.s32 @p2 $0x31  }
0x27: {  	p3 =	sgt.s32 @!p1 s17, $0x368;
	s19 =	ssub.s32 @!p1 s20, s19  }
0x28: {  	p4 =	sgt.s32 @!p1 s18, $0x380;
	s22 =	sshra.s32 @!p1 s18, $0x1F;
	s20 =	sadd.s32 @!p1 $0xFFFFFFCF, s19  }
0x29: {  	s21 =	smov.u32 s17;
	p2 =	sgt.s32 @!p1 s20, $0x0;
	s20 =	sshra.s32 @!p1 s17, $0x1F  }
0x2a: {  	p4 =	por !p4, p1;
	s17 =	sand.u32 @!p1 s20, s17;
	s20 =	smov.u32 s18  }
0x2b: {  	p3 =	por !p3, p1;
	s18 =	sand.u32 @!p1 s22, s18;
	s20 =	simm.s32 @p4 $0x380  }
0x2c: {  	s21 =	simm.s32 @p3 $0x368;
	s19 =	ssub.s32 @!p1 $0x32, s19;
	s18 =	ssub.s32 @!p1 s20, s18  }
0x2d: {  	p2 =	por !p2, p1;
	s17 =	ssub.s32 @!p1 s21, s17;
	s21 =	sadd.s32 @!p1 $0xFFFFFC80, s18  }
0x2e: {  	s19 =	simm.s32 @!p2 $0x0;
	p3 =	sgt.s32 @!p1 s21, $0x7F  }
0x2f: {  	s20 =	sadd.s32 @!p1 $0xFFFFFC98, s17;
	s18 =	ssub.s32 @!p1 $0x400, s18;
	p3 =	por !p3, p1  }
0x30: {  	p2 =	sgt.s32 @!p1 s20, $0x7F;
	s20 =	sadd.s32 $0x200, s13;
	s18 =	simm.s32 @!p3 $0x0  }
0x31: {  	p3 =	sgt.s32 s20, $0x3E7;
	s18 =	smul.u32 @!p1 s18, s19;
	s19 =	simm.s32 $0x1  }
0x32: {  	s17 =	ssub.s32 @!p1 $0x3E8, s17;
	p2 =	por !p2, p1;
	s19 =	simm.s32 @!p3 $0x0  }
0x33: {  	s22 =	smov.u32 s15;
	s17 =	simm.s32 @!p2 $0x0;
	s21 =	sadd.s32 s19, s14  }
0x34: {  	s17 =	smul.u32 @!p1 s17, s18;
	s18 =	sadd.s32 $0x400, s15;
	p2 =	sgt.s32 s21, $0x31  }
0x35: {  	p0 =	por !p0, !p0;
	s23 =	simm.s32 @!p1 $0x2;
	s22 =	smov.u32 @p2 s18  }
0x36: {  	s20 =	smov.u32 @p3 s7;
	s21 =	simm.s32 @p2 $0x0;
	p2 =	sgt.s32 s22, $0x3FF  }
0x37: {  	s19 =	smov.u32 s11;
	s22 =	smov.u32 @p2 s3;
	p2 =	sne.s32 s16, s8  }
.Ltmp1:
0x38: {  	s11 =	smov.u32 s14;
	s17 =	sand.u32 @!p1 $0x3FFFFFFF, s17;
	(pc) =	sbr.rel @!p2 .LBB1_6-.Ltmp1, $4  }
0x39: {  	s18 =	smov.u32 s12;
	s12 =	smov.u32 s15;
	_ =	swait.ge @!p1 [sflag:s23], s17  }
0x3a: {  	s24 =	ssub.s32 @!p1 $0x0, s17;
	s17 =	smov.u32 s10;
	s10 =	smov.u32 s13  }
0x3b: {  	s13 =	smov.u32 s20;
	s14 =	smov.u32 s21;
	[sflag:s23] =	ssyncset.done @!p1 $0x0  }
0x3c: {  	s16 =	sadd.s32 $0x1, s16;
	[sflag:s23] =	ssyncadd.s32 @!p1 s24;
	s15 =	smov.u32 s22  }
.LBB1_1:
0x3d: {  	p1 =	sge.u32 s16, s6  }
0x3e: {  	s20 =	sshll.u32 @!p1 s14, $0xA  }
0x3f: {  	s21 =	sshll.u32 @!p1 s13, $0x3;
	s20 =	sand.u32 @!p1 $0xFFFFE000, s20  }
0x40: {  	s20 =	sadd.s32 @!p1 s20, s21  }
0x41: {  	s20 =	sshrl.u32 @!p1 s20, $0xA  }
0x42: {  	s21 =	smulhi.u32 @!p1 $0x4924925, s20  }
0x43: {  	s22 =	sshll.u32 @!p1 s14, $0x7;
	s24 =	smul.u32 @!p1 $0x1C00, s15  }
0x44: {  	s23 =	sand.u32 @!p1 $0x78, s13;
	s22 =	sand.u32 @!p1 $0x380, s22;
	s21 =	smul.u32 @!p1 $0x38, s21  }
0x45: {  	s31 =	sadd.s32 $0xFFFFFFFF, s16;
	s22 =	sor.u32 @!p1 s23, s22;
	s23 =	sadd.s32 @!p1 s4, s24  }
0x46: {  	s22 =	sshrl.u32 @!p1 s22, $0x3;
	s20 =	ssub.s32 @!p1 s20, s21;
	s21 =	sxor.u32 @!p1 $0xFFFFFFFF, s16  }
0x47: {  	s22 =	sadd.s32 @!p1 s22, s23;
	s23 =	sand.u32 @!p1 $0x7, s13;
	s21 =	sshll.u32 @!p1 s21, $0xE  }
0x48: {  	s23 =	sshll.u32 @!p1 s23, $0x12;
	s20 =	sshll.u32 @!p1 s20, $0x7;
	s21 =	sand.u32 @!p1 $0x4000, s21  }
0x49: {  	s20 =	sadd.s32 @!p1 s20, s22;
	s22 =	sor.u32 @!p1 $0x80, s23;
	s23 =	simm.s32 @!p1 $0xE000  }
0x4a: {  	[tilespmem:s21], [sflag:$0x1] =	stream.strided.gather @!p1 [hbm4b:s20+s22], $0x4000, s23, s22, $0x38;
	[tilespmem:$0x10100] =	vst v63  }
0x4b: {  	p1 =	sge.u32 s31, s6  }
.Ltmp2:
0x4c: {  	_ = 	snop;
	(pc) =	sbr.rel @p1 .LBB1_5-.Ltmp2, $1  }
0x4d: {  	_ =	sdelay $0x3  }
0x4e: {  	s20 =	simm.s32 $0x1  }
0x4f: {  	_ =	swait.ge [sflag:s5], $0x4000;
	s20 =	simm.s32 @!p0 $0x0  }
0x50: {  	[sflag:s5] =	ssyncset.done $0x0;
	s21 =	sshll.u32 s20, $0xE  }
0x51: {  	[sflag:s5] =	ssyncadd.s32 $0xFFFFC000;
	s21 =	sor.u32 $0x40, s21  }
0x52: {  	s20 =	smul.u32 $0x10200, s20;
	v0 =	vld [tilespmem:s21+$0x30]  }
0x53: {  	v1 =	vld [tilespmem:s21+$0xFFFFFFD0]  }
0x54: {  	s20 =	sshrl.u32 s20, $0x2;
	v5 =	vld [tilespmem:s21+$0xFFFFFFE0]  }
0x55: {  	v6 =	vld [tilespmem:s21+$0xFFFFFFF0];
	s23 =	sor.u32 $0x8000, s20  }
0x56: {  	s31 =	sand.u32 $0x1, s16;
	v4 =	vld [tilespmem:s21+$0x0];
	s22 =	sadd.s32 $0x0, s23  }
0x57: {  	v3 =	vld [tilespmem:s21+$0x10];
	s20 =	smul.u32 $0x10200, s31;
	[tilespmem:s22+$0x3870 ss:$0x81] =	vst.msk $0xffff, v0  }
0x58: {  	v2 =	vld [tilespmem:s21+$0x20];
	[tilespmem:s22+$0x810 ss:$0x81] =	vst.msk $0xffff, v1  }
0x59: {  	s20 =	sshrl.u32 s20, $0x2;
	v1 =	vld [tilespmem:s21+$0xFFFFFFC0];
	[tilespmem:s22+$0x1020 ss:$0x81] =	vst.msk $0xffff, v5;
	s21 =	sadd.s32 $0x80, s21  }
0x5a: {  	s24 =	simm.s32 $0x4;
	s25 =	simm.s32 $0x8;
	s20 =	sor.u32 $0x8000, s20;
	[tilespmem:s22+$0x1830 ss:$0x81] =	vst.msk $0xffff, v6;
	v0 =	vld [tilespmem:s21+$0x30]  }
.LBB1_3:
0x5b: {  	p1 =	sne.s32 s25, $0x1FC;
	v5 =	vld [tilespmem:s21+$0xFFFFFFD0];
	[tilespmem:s22+$0x2040 ss:$0x81] =	vst.msk $0xffff, v4  }
0x5c: {  	v6 =	vld [tilespmem:s21+$0xFFFFFFE0];
	[tilespmem:s22+$0x2850 ss:$0x81] =	vst.msk $0xffff, v3  }
0x5d: {  	s26 =	sshra.s32 s24, $0x2;
	s24 =	smov.u32 s25;
	v7 =	vld [tilespmem:s21+$0xFFFFFFF0];
	[tilespmem:s22+$0x3060 ss:$0x81] =	vst.msk $0xffff, v2  }
.Ltmp3:
0x5e: {  	v4 =	vld [tilespmem:s21+$0x0];
	[tilespmem:s22+$0x0 ss:$0x81] =	vst.msk $0xffff, v1;
	s22 =	sadd.s32 s26, s23;
	(pc) =	sbr.rel @p1 .LBB1_3-.Ltmp3, $4  }
0x5f: {  	v3 =	vld [tilespmem:s21+$0x10];
	[tilespmem:s22+$0x3870 ss:$0x81] =	vst.msk $0xffff, v0  }
0x60: {  	[tilespmem:s22+$0x810 ss:$0x81] =	vst.msk $0xffff, v5;
	v2 =	vld [tilespmem:s21+$0x20]  }
0x61: {  	v1 =	vld [tilespmem:s21+$0xFFFFFFC0];
	[tilespmem:s22+$0x1020 ss:$0x81] =	vst.msk $0xffff, v6;
	s21 =	sadd.s32 $0x80, s21  }
0x62: {  	s25 =	sadd.s32 $0x4, s25;
	v0 =	vld [tilespmem:s21+$0x30];
	[tilespmem:s22+$0x1830 ss:$0x81] =	vst.msk $0xffff, v7  }
.Ltmp4:
0x63: {  	_ = 	snop;
	(pc) =	sbr.rel .LBB1_4-.Ltmp4, $1  }
0x64: {  	_ =	sdelay $0x3  }
.LBB1_6:
0x65: {  	_ =	sfence.sel $0x180000  }
0x66: {  	s2 =	simm.s32 $0x1;
	[bflag:$0x0] =	sbarrier.arrive $0xFFFF  }
0x67: {  	s31 =	simm.s32 $0x2;
	[sflag:s2] =	ssyncpa.u1 $0x1  }
0x68: {  	[sflag:s31] =	ssyncpa.u1 $0x1  }
0x69: {  	p0 =	sne.s32 s0, $0x0;
	_ =	strace $0x9000004A  }
0x6a: {  	s0 =	sadd.s32 @!p0 $0x100000, s1;
	[bflag:$0x2] =	sbarrier.arrive $0xFFFF  }
0x6b: {  	[sflag:s0] =	ssyncadd.tile.s32 @!p0 $0x1;
	_ =	shalt  }
.Lfunc_end1:
_tile_overlayer_lowered:
.L_overlay_start_2:
0x6c: {  	(tag) =	ssettag $0x2  }
0x6d: {  	s0 =	rddreg [dreg:$0x0];
	s2 =	stileid.u32  }
0x6e: {  	s1 =	rddreg [dreg:$0x1];
	p0 =	sne.s32 s2, $0x0  }
0x6f: {  	s3 =	rddreg [dreg:$0x2];
	[bflag:$0x3] =	sbarrier.arrive $0xFFFF;
	s2 =	simm.s32 @!p0 $0x1C01  }
0x70: {  	[timem:s3], [sflag:s2] =	dma.local @!p0 [hbm:s0], s1  }
0x71: {  	s0 =	simm.s32 @!p0 $0x1  }
0x72: {  	_ =	swait.ge @!p0 [sflag:s0], s1  }
0x73: {  	s1 =	ssub.s32 @!p0 $0x0, s1;
	[sflag:s0] =	ssyncset.done @!p0 $0x0  }
0x74: {  	[sflag:s0] =	ssyncadd.s32 @!p0 s1  }
0x75: {  	[bflag:$0x3] =	sbarrier.arrive $0xFFFF  }
0x76: {  	_ =	shalt  }

</sc_bundles>
